<compile_context>
chip_gen: v7x
topology: tpu7x:2x2x1
jax: 0.10.2.dev20260603
libtpu: 0.0.44.dev20260713+nightly
codegen_flags: <defaults>
</compile_context>

<pallas_src>
import functools

import jax
import jax.numpy as jnp
from jax import lax
from jax.experimental import pallas as pl
from jax.experimental.pallas import tpu as pltpu
from jax.experimental.pallas import tpu_sc as plsc

_N = 50000
_C = 64
_K = 16
_G = 8
_W = 128

_NC = 2
_NS = 16
_NW = _NC * _NS
_CH = 128
_NIDX = _N * _K
_NCHUNK0 = 2
_DEPTH = 2
_NIDX_C = _NIDX // _NCHUNK0
_NCHW_C0 = -(-_NIDX_C // (_NW * _CH * _DEPTH)) * _DEPTH
_NPC0 = _NW * _CH * _NCHW_C0
_NPAD = _NCHUNK0 * _NPC0


_NCHUNK = _NCHUNK0
_NCHW_C = _NCHW_C0
_NPC = _NPC0


def _sc_gather_chunk_body(chunk_off, tbl_ref, idx_ref, gx_ref, *scr):
    w = lax.axis_index("s") * _NC + lax.axis_index("c")
    idx_v = scr[:_DEPTH]
    rows_v = scr[_DEPTH:2 * _DEPTH]
    gsem = scr[2 * _DEPTH:3 * _DEPTH]
    ssem = scr[3 * _DEPTH:4 * _DEPTH]

    def base(g):
        return (g * _NW + w) * _CH

    def load_and_fire(g, b):
        pltpu.sync_copy(idx_ref.at[pl.ds(chunk_off + base(g), _CH)], idx_v[b])
        pltpu.async_copy(tbl_ref.at[idx_v[b]], rows_v[b], gsem[b])

    def wait_gather(b):
        pltpu.make_async_copy(tbl_ref.at[idx_v[b]], rows_v[b], gsem[b]).wait()

    def start_store(g, b):
        pltpu.async_copy(rows_v[b], gx_ref.at[pl.ds(base(g), _CH), :], ssem[b])

    def wait_store(b):
        pltpu.make_async_copy(rows_v[b], gx_ref.at[pl.ds(0, _CH), :], ssem[b]).wait()

    for b in range(_DEPTH):
        load_and_fire(b, b)

    def step(t, carry):
        g0 = _DEPTH * t
        for b in range(_DEPTH):
            g = g0 + b
            wait_gather(b)
            start_store(g, b)

            @pl.when(g + _DEPTH < _NCHW_C)
            def _(b=b, g=g):
                wait_store(b)
                load_and_fire(g + _DEPTH, b)

        return carry

    lax.fori_loop(0, _NCHW_C // _DEPTH, step, 0)
    for b in range(_DEPTH):
        wait_store(b)


def _make_sc_gather(chunk):
    body = functools.partial(_sc_gather_chunk_body, chunk * _NPC)
    return functools.partial(
        pl.kernel,
        out_type=jax.ShapeDtypeStruct((_NPC, _W), jnp.float32),
        mesh=plsc.VectorSubcoreMesh(core_axis_name="c", subcore_axis_name="s"),
        scratch_types=(
            [pltpu.VMEM((_CH,), jnp.int32) for _ in range(_DEPTH)]
            + [pltpu.VMEM((_CH, _W), jnp.float32) for _ in range(_DEPTH)]
            + [pltpu.SemaphoreType.DMA for _ in range(2 * _DEPTH)]
        ),
    )(body)


def _tc_body(g_ref, t_ref,
             wkv_ref, p2w_ref, q2w_ref, qb_ref, t1w_ref, lo_ref,
             mv_ref, mk_ref, p1m_ref, pfs_ref, pft_ref,
             w1m_ref, w2s_ref, w2t_ref, w2m_ref, tile2_ref,
             out_ref):
    f32 = jnp.float32
    B = out_ref.shape[0]
    BK = B * _K

    g = g_ref[...]
    tb = t_ref[...]
    q2 = jnp.dot(tb, q2w_ref[...], preferred_element_type=f32) + qb_ref[...]

    aj = jnp.dot(g, p1m_ref[...], preferred_element_type=f32)
    bi = jnp.dot(tb, p1m_ref[...], preferred_element_type=f32)
    dt = (aj.reshape(B, _K, 8) - bi.reshape(B, 1, 8)).reshape(BK, 8)
    dt = jnp.maximum(dt * pfs_ref[...] + pft_ref[...], 0.0)
    pr2 = jnp.dot(dt, p2w_ref[...], preferred_element_type=f32)

    gkv = jnp.dot(g, wkv_ref[...], preferred_element_type=f32)
    u = ((gkv + pr2).reshape(B, _K, _W) - q2.reshape(B, 1, _W)).reshape(BK, _W)
    a = jnp.maximum(u + t1w_ref[...], lo_ref[...])

    w8 = jnp.dot(a, w1m_ref[...], preferred_element_type=f32)
    w8 = jnp.maximum(w8 * w2s_ref[...] + w2t_ref[...], 0.0)
    w8 = jnp.dot(w8, w2m_ref[...], preferred_element_type=f32)
    e = jnp.exp(w8)
    ew = jnp.dot(e, tile2_ref[...], preferred_element_type=f32)

    m = a * mv_ref[...] + mk_ref[...]
    y = m * ew
    ys = jnp.sum(y.reshape(B, _K, _W), axis=1)
    out_ref[...] = ys[:, _C:] / ys[:, :_C]


_B = 1000
_NQC = _N // _NCHUNK
_GRID = _NQC // _B


def _tc_call(chunk, g, tbl, consts):
    goff = chunk * _GRID
    full = lambda shp: pl.BlockSpec(shp, lambda i: (0, 0))
    in_specs = [
        pl.BlockSpec((_B * _K, _W), lambda i: (i, 0)),
        pl.BlockSpec((_B, _W), lambda i: (i + goff, 0)),
    ] + [full(c.shape) for c in consts]
    return pl.pallas_call(
        _tc_body,
        grid=(_GRID,),
        in_specs=in_specs,
        out_specs=pl.BlockSpec((_B, _C), lambda i: (i, 0)),
        out_shape=jax.ShapeDtypeStruct((_NQC, _C), jnp.float32),
        compiler_params=pltpu.CompilerParams(
            dimension_semantics=("arbitrary",),
            vmem_limit_bytes=120 * 1024 * 1024,
        ),
    )(g, tbl, *consts)


def kernel(p, x, idx, Wq, bq, Wk, bk, Wv, bv, p1W, p1b, pbn_g, pbn_b, pbn_m,
           pbn_v, p2W, p2b, wbn1_g, wbn1_b, wbn1_m, wbn1_v, w1W, w1b, wbn2_g,
           wbn2_b, wbn2_m, wbn2_v, w2W, w2b):
    f32 = jnp.float32
    idx32 = idx.reshape(-1).astype(jnp.int32)
    idxp = jnp.zeros((_NPAD,), jnp.int32)
    for c in range(_NCHUNK):
        idxp = idxp.at[c * _NPC : c * _NPC + _NIDX_C].set(
            idx32[c * _NIDX_C : (c + 1) * _NIDX_C])
    tbl = jnp.concatenate(
        [x, p, jnp.zeros((_N, _W - _C - 3), f32)], axis=1)

    gs = [_make_sc_gather(c)(tbl, idxp) for c in range(_NCHUNK)]

    eps = 1e-5
    s1 = wbn1_g / jnp.sqrt(wbn1_v + eps)
    t1 = wbn1_b - wbn1_m * s1
    s2 = wbn2_g / jnp.sqrt(wbn2_v + eps)
    t2 = wbn2_b - wbn2_m * s2
    ps = pbn_g / jnp.sqrt(pbn_v + eps)
    pt = pbn_b - pbn_m * ps

    def pad8(v):
        return jnp.zeros((1, 8), f32).at[0, : v.shape[0]].set(v)

    z64 = jnp.zeros((64,), f32)
    one64 = jnp.ones((64,), f32)

    wkv = (jnp.zeros((_W, _W), f32)
           .at[:_C, :_C].set(Wk.T * s1[None, :])
           .at[:_C, _C:].set(Wv.T))
    p2w = jnp.zeros((8, _W), f32).at[:3, :_C].set(p2W.T * s1[None, :]) \
                                  .at[:3, _C:].set(p2W.T)
    q2w = jnp.zeros((_W, _W), f32).at[:_C, :_C].set(Wq.T * s1[None, :])
    qb = jnp.concatenate([(bq - bk - p2b) * s1, -(bv + p2b)]).reshape(1, _W)
    t1w = jnp.concatenate([t1, z64]).reshape(1, _W)
    lo = jnp.concatenate([z64, jnp.full((64,), -jnp.inf, f32)]).reshape(1, _W)
    mv = jnp.concatenate([z64, one64]).reshape(1, _W)
    mk = jnp.concatenate([one64, z64]).reshape(1, _W)
    p1m = jnp.zeros((_W, 8), f32).at[_C:_C + 3, :3].set(p1W.T)
    pfs = pad8(ps)
    pft = pad8(p1b * ps + pt)
    w1m = jnp.zeros((_W, 8), f32).at[:_C, :].set(w1W.T)
    w2sp = pad8(s2)
    w2tp = pad8(s2 * w1b + t2)
    tile = jnp.tile(jnp.eye(_G, dtype=f32), (1, _C // _G))
    tile2 = jnp.concatenate([tile, tile], axis=1)

    consts = [
        wkv, p2w, q2w, qb, t1w, lo, mv, mk,
        p1m, pfs, pft, w1m, w2sp, w2tp, w2W.T, tile2,
    ]
    outs = [_tc_call(c, gs[c], tbl, consts) for c in range(_NCHUNK)]
    return jnp.concatenate(outs, axis=0)

# --- scband reference (transcript-rebuilt; emitter-appended) ---
"""Pipeline reference for scband-boundary-point-transformer-unet-prim-seg-48095043780757 (READ-ONLY COPY).

The authoritative reference and input builder live on the scoring server;
editing this copy changes nothing except your own understanding.
"""

import jax, jax.numpy as jnp
import numpy as np

N = 50000
C = 64
S = 8
NS = 16

def bn(x, g, b, m, v, eps=1e-5):
    return (x - m) / jnp.sqrt(v + eps) * g + b

def setup_inputs(seed: int = 0):
    key = jax.random.key(seed)
    ks = jax.random.split(key, 32)
    def nrm(i, shp):
        return jax.random.normal(ks[i], shp, dtype=jnp.float32) * 0.05
    inp = {}
    inp["p"] = jax.random.uniform(ks[0], (N, 3), dtype=jnp.float32)
    inp["x"] = jax.random.normal(ks[1], (N, C), dtype=jnp.float32)
    inp["idx"] = jax.random.randint(ks[2], (N, NS), 0, N)
    inp["Wq"] = nrm(3, (C, C)); inp["bq"] = nrm(4, (C,))
    inp["Wk"] = nrm(5, (C, C)); inp["bk"] = nrm(6, (C,))
    inp["Wv"] = nrm(7, (C, C)); inp["bv"] = nrm(8, (C,))
    inp["p1W"] = nrm(9, (3, 3)); inp["p1b"] = nrm(10, (3,))
    inp["pbn_g"] = jnp.ones((3,), jnp.float32); inp["pbn_b"] = jnp.zeros((3,), jnp.float32)
    inp["pbn_m"] = jnp.zeros((3,), jnp.float32); inp["pbn_v"] = jnp.ones((3,), jnp.float32)
    inp["p2W"] = nrm(11, (C, 3)); inp["p2b"] = nrm(12, (C,))
    inp["wbn1_g"] = jnp.ones((C,), jnp.float32); inp["wbn1_b"] = jnp.zeros((C,), jnp.float32)
    inp["wbn1_m"] = jnp.zeros((C,), jnp.float32); inp["wbn1_v"] = jnp.ones((C,), jnp.float32)
    inp["w1W"] = nrm(13, (C // S, C)); inp["w1b"] = nrm(14, (C // S,))
    inp["wbn2_g"] = jnp.ones((C // S,), jnp.float32); inp["wbn2_b"] = jnp.zeros((C // S,), jnp.float32)
    inp["wbn2_m"] = jnp.zeros((C // S,), jnp.float32); inp["wbn2_v"] = jnp.ones((C // S,), jnp.float32)
    inp["w2W"] = nrm(15, (C // S, C // S)); inp["w2b"] = nrm(16, (C // S,))
    return inp

def reference(p, x, idx, Wq, bq, Wk, bk, Wv, bv, p1W, p1b, pbn_g, pbn_b, pbn_m, pbn_v, p2W, p2b, wbn1_g, wbn1_b, wbn1_m, wbn1_v, w1W, w1b, wbn2_g, wbn2_b, wbn2_m, wbn2_v, w2W, w2b):
    xq = x @ Wq.T + bq
    xk = x @ Wk.T + bk
    xv = x @ Wv.T + bv
    gp = jnp.take(p, idx, axis=0) - p[:, None, :]
    gk = jnp.take(xk, idx, axis=0)
    gv = jnp.take(xv, idx, axis=0)
    pr = gp @ p1W.T + p1b
    pr = jax.nn.relu(bn(pr, pbn_g, pbn_b, pbn_m, pbn_v))
    pr = pr @ p2W.T + p2b
    w = gk - xq[:, None, :] + pr
    w = jax.nn.relu(bn(w, wbn1_g, wbn1_b, wbn1_m, wbn1_v))
    w = w @ w1W.T + w1b
    w = jax.nn.relu(bn(w, wbn2_g, wbn2_b, wbn2_m, wbn2_v))
    w = w @ w2W.T + w2b
    w = jax.nn.softmax(w, axis=1)
    out = ((gv + pr).reshape(N, NS, S, C // S) * w[:, :, None, :]).sum(axis=1).reshape(N, C)
    return out

if __name__ == "__main__":
    import jax
    _d = setup_inputs()
    print(jax.jit(kernel)(*tuple(_d.values())))

</pallas_src>

<mosaic_0001>
#map = affine_map<(d0, d1) -> (0, 0)>
#map1 = affine_map<(d0, d1) -> (0)>
module attributes {stable_mosaic.version = 14 : i64} {
  func.func @_sc_gather_chunk_body(%arg0: i32, %arg1: i32, %arg2: memref<50000x128xf32, #tpu.memory_space<hbm>>, %arg3: memref<802816xi32, #tpu.memory_space<hbm>>, %arg4: memref<401408x128xf32, #tpu.memory_space<hbm>>, %arg5: memref<128xi32, #tpu.memory_space<vmem>>, %arg6: memref<128xi32, #tpu.memory_space<vmem>>, %arg7: memref<128x128xf32, #tpu.memory_space<vmem>>, %arg8: memref<128x128xf32, #tpu.memory_space<vmem>>, %arg9: memref<!tpu.dma_semaphore, #tpu.memory_space<semaphore_mem>>, %arg10: memref<!tpu.dma_semaphore, #tpu.memory_space<semaphore_mem>>, %arg11: memref<!tpu.dma_semaphore, #tpu.memory_space<semaphore_mem>>, %arg12: memref<!tpu.dma_semaphore, #tpu.memory_space<semaphore_mem>>) attributes {dimension_semantics = [#tpu.dimension_semantics<core_parallel>, #tpu.dimension_semantics<subcore_parallel>], iteration_bounds = array<i64: 2, 16>, scalar_prefetch = 0 : i64, scratch_operands = 8 : i64, tpu.core_type = #tpu.core_type<sc_vector_subcore>, window_params = [{transform_indices = #map}, {transform_indices = #map1}, {transform_indices = #map}]} {
    %mul3A = arith.constant 2 : i32
    %mul3A_0 = arith.muli %arg1, %mul3A : i32
    %add3A = arith.addi %mul3A_0, %arg0 : i32
    %add3A_1 = arith.constant 0 : i32
    %add3A_2 = arith.addi %add3A_1, %add3A : i32
    %mul3A_3 = arith.constant 128 : i32
    %mul3A_4 = arith.muli %add3A_2, %mul3A_3 : i32
    %add3A_5 = arith.constant 0 : i32
    %add3A_6 = arith.addi %add3A_5, %mul3A_4 : i32
    "tpu.region"() ({
      %run_scoped3A = tpu.sem_alloc : memref<!tpu.dma_semaphore, #tpu.memory_space<semaphore_mem>>
      %dma_start3A_34 = tpu.memref_slice %arg3[%add3A_6] : memref<802816xi32, #tpu.memory_space<hbm>> -> memref<128xi32, #tpu.memory_space<hbm>>
      %dma_start3A_35 = tpu.memref_slice %arg3[%add3A_6] : memref<802816xi32, #tpu.memory_space<hbm>> -> memref<128xi32, #tpu.memory_space<hbm>>
      tpu.enqueue_dma source(%dma_start3A_35 : memref<128xi32, #tpu.memory_space<hbm>>) target(%arg5 : memref<128xi32, #tpu.memory_space<vmem>>) target_semaphore(%run_scoped3A : memref<!tpu.dma_semaphore, #tpu.memory_space<semaphore_mem>>)
      %dma_wait3A_36 = tpu.memref_slice %arg3[%add3A_6] : memref<802816xi32, #tpu.memory_space<hbm>> -> memref<128xi32, #tpu.memory_space<hbm>>
      %dma_wait3A_37 = tpu.memref_slice %arg3[%add3A_6] : memref<802816xi32, #tpu.memory_space<hbm>> -> memref<128xi32, #tpu.memory_space<hbm>>
      tpu.wait_dma2 semaphore(%run_scoped3A : memref<!tpu.dma_semaphore, #tpu.memory_space<semaphore_mem>>) src(%dma_wait3A_37 : memref<128xi32, #tpu.memory_space<hbm>>) dst(%arg5 : memref<128xi32, #tpu.memory_space<vmem>>)
      tpu.yield
    }) : () -> ()
    %dma_start3A = arith.constant 0 : i32
    %dma_start3A_7 = arith.constant 0 : i32
    %dma_start3A_8 = tpu.memref_slice %arg2[%dma_start3A, %dma_start3A_7] : memref<50000x128xf32, #tpu.memory_space<hbm>> -> memref<50000x128xf32, #tpu.memory_space<hbm>>
    tpu.enqueue_indirect_dma source(%dma_start3A_8 : memref<50000x128xf32, #tpu.memory_space<hbm>>) target(%arg7 : memref<128x128xf32, #tpu.memory_space<vmem>>) offsets(%arg5 : memref<128xi32, #tpu.memory_space<vmem>>) semaphore(%arg9 : memref<!tpu.dma_semaphore, #tpu.memory_space<semaphore_mem>>)
    %add3A_9 = arith.constant 32 : i32
    %add3A_10 = arith.addi %add3A_9, %add3A : i32
    %mul3A_11 = arith.constant 128 : i32
    %mul3A_12 = arith.muli %add3A_10, %mul3A_11 : i32
    %add3A_13 = arith.constant 0 : i32
    %add3A_14 = arith.addi %add3A_13, %mul3A_12 : i32
    "tpu.region"() ({
      %run_scoped3A = tpu.sem_alloc : memref<!tpu.dma_semaphore, #tpu.memory_space<semaphore_mem>>
      %dma_start3A_34 = tpu.memref_slice %arg3[%add3A_14] : memref<802816xi32, #tpu.memory_space<hbm>> -> memref<128xi32, #tpu.memory_space<hbm>>
      %dma_start3A_35 = tpu.memref_slice %arg3[%add3A_14] : memref<802816xi32, #tpu.memory_space<hbm>> -> memref<128xi32, #tpu.memory_space<hbm>>
      tpu.enqueue_dma source(%dma_start3A_35 : memref<128xi32, #tpu.memory_space<hbm>>) target(%arg6 : memref<128xi32, #tpu.memory_space<vmem>>) target_semaphore(%run_scoped3A : memref<!tpu.dma_semaphore, #tpu.memory_space<semaphore_mem>>)
      %dma_wait3A_36 = tpu.memref_slice %arg3[%add3A_14] : memref<802816xi32, #tpu.memory_space<hbm>> -> memref<128xi32, #tpu.memory_space<hbm>>
      %dma_wait3A_37 = tpu.memref_slice %arg3[%add3A_14] : memref<802816xi32, #tpu.memory_space<hbm>> -> memref<128xi32, #tpu.memory_space<hbm>>
      tpu.wait_dma2 semaphore(%run_scoped3A : memref<!tpu.dma_semaphore, #tpu.memory_space<semaphore_mem>>) src(%dma_wait3A_37 : memref<128xi32, #tpu.memory_space<hbm>>) dst(%arg6 : memref<128xi32, #tpu.memory_space<vmem>>)
      tpu.yield
    }) : () -> ()
    %dma_start3A_15 = arith.constant 0 : i32
    %dma_start3A_16 = arith.constant 0 : i32
    %dma_start3A_17 = tpu.memref_slice %arg2[%dma_start3A_15, %dma_start3A_16] : memref<50000x128xf32, #tpu.memory_space<hbm>> -> memref<50000x128xf32, #tpu.memory_space<hbm>>
    tpu.enqueue_indirect_dma source(%dma_start3A_17 : memref<50000x128xf32, #tpu.memory_space<hbm>>) target(%arg8 : memref<128x128xf32, #tpu.memory_space<vmem>>) offsets(%arg6 : memref<128xi32, #tpu.memory_space<vmem>>) semaphore(%arg10 : memref<!tpu.dma_semaphore, #tpu.memory_space<semaphore_mem>>)
    %scan3A = arith.constant 0 : i32
    %scan3A_18 = arith.constant 0 : i32
    %scan3A_19 = arith.constant 49 : i32
    %scan3A_20 = arith.addi %scan3A_18, %scan3A_19 : i32
    %scan3A_21 = arith.constant 1 : i32
    scf.for %scan3A_34 = %scan3A_18 to %scan3A_20 step %scan3A_21  : i32 {
      %mul3A_35 = arith.constant 2 : i32
      %mul3A_36 = arith.muli %mul3A_35, %scan3A_34 : i32
      %add3A_37 = arith.constant 0 : i32
      %add3A_38 = arith.addi %mul3A_36, %add3A_37 : i32
      %dma_wait3A_39 = arith.constant 0 : i32
      %dma_wait3A_40 = arith.constant 0 : i32
      %dma_wait3A_41 = tpu.memref_slice %arg2[%dma_wait3A_39, %dma_wait3A_40] : memref<50000x128xf32, #tpu.memory_space<hbm>> -> memref<50000x128xf32, #tpu.memory_space<hbm>>
      tpu.wait_indirect_dma semaphore(%arg9 : memref<!tpu.dma_semaphore, #tpu.memory_space<semaphore_mem>>) src(%dma_wait3A_41 : memref<50000x128xf32, #tpu.memory_space<hbm>>) dst(%arg7 : memref<128x128xf32, #tpu.memory_space<vmem>>)
      %mul3A_42 = arith.constant 32 : i32
      %mul3A_43 = arith.muli %add3A_38, %mul3A_42 : i32
      %add3A_44 = arith.addi %mul3A_43, %add3A : i32
      %mul3A_45 = arith.constant 128 : i32
      %mul3A_46 = arith.muli %add3A_44, %mul3A_45 : i32
      %dma_start3A_47 = arith.constant 0 : i32
      %dma_start3A_48 = tpu.memref_slice %arg4[%mul3A_46, %dma_start3A_47] : memref<401408x128xf32, #tpu.memory_space<hbm>> -> memref<128x128xf32, #tpu.memory_space<hbm>>
      %dma_start3A_49 = arith.constant 0 : i32
      %dma_start3A_50 = tpu.memref_slice %arg4[%mul3A_46, %dma_start3A_49] : memref<401408x128xf32, #tpu.memory_space<hbm>> -> memref<128x128xf32, #tpu.memory_space<hbm>>
      tpu.enqueue_dma source(%arg7 : memref<128x128xf32, #tpu.memory_space<vmem>>) target(%dma_start3A_50 : memref<128x128xf32, #tpu.memory_space<hbm>>) target_semaphore(%arg11 : memref<!tpu.dma_semaphore, #tpu.memory_space<semaphore_mem>>)
      %add3A_51 = arith.constant 2 : i32
      %add3A_52 = arith.addi %add3A_38, %add3A_51 : i32
      %lt3A = arith.constant 98 : i32
      %lt3A_53 = arith.cmpi slt, %add3A_52, %lt3A : i32
      %convert_element_type3A = arith.extui %lt3A_53 : i1 to i32
      %cond3A = arith.constant 0 : i32
      %cond3A_54 = arith.cmpi ne, %convert_element_type3A, %cond3A : i32
      scf.if %cond3A_54 {
        %dma_wait3A_76 = arith.constant 0 : i32
        %dma_wait3A_77 = arith.constant 0 : i32
        %dma_wait3A_78 = tpu.memref_slice %arg4[%dma_wait3A_76, %dma_wait3A_77] : memref<401408x128xf32, #tpu.memory_space<hbm>> -> memref<128x128xf32, #tpu.memory_space<hbm>>
        %dma_wait3A_79 = arith.constant 0 : i32
        %dma_wait3A_80 = arith.constant 0 : i32
        %dma_wait3A_81 = tpu.memref_slice %arg4[%dma_wait3A_79, %dma_wait3A_80] : memref<401408x128xf32, #tpu.memory_space<hbm>> -> memref<128x128xf32, #tpu.memory_space<hbm>>
        tpu.wait_dma2 semaphore(%arg11 : memref<!tpu.dma_semaphore, #tpu.memory_space<semaphore_mem>>) src(%arg7 : memref<128x128xf32, #tpu.memory_space<vmem>>) dst(%dma_wait3A_81 : memref<128x128xf32, #tpu.memory_space<hbm>>)
        %add3A_82 = arith.constant 2 : i32
        %add3A_83 = arith.addi %add3A_38, %add3A_82 : i32
        %mul3A_84 = arith.constant 32 : i32
        %mul3A_85 = arith.muli %add3A_83, %mul3A_84 : i32
        %add3A_86 = arith.addi %mul3A_85, %add3A : i32
        %mul3A_87 = arith.constant 128 : i32
        %mul3A_88 = arith.muli %add3A_86, %mul3A_87 : i32
        %add3A_89 = arith.constant 0 : i32
        %add3A_90 = arith.addi %add3A_89, %mul3A_88 : i32
        "tpu.region"() ({
          %run_scoped3A = tpu.sem_alloc : memref<!tpu.dma_semaphore, #tpu.memory_space<semaphore_mem>>
          %dma_start3A_94 = tpu.memref_slice %arg3[%add3A_90] : memref<802816xi32, #tpu.memory_space<hbm>> -> memref<128xi32, #tpu.memory_space<hbm>>
          %dma_start3A_95 = tpu.memref_slice %arg3[%add3A_90] : memref<802816xi32, #tpu.memory_space<hbm>> -> memref<128xi32, #tpu.memory_space<hbm>>
          tpu.enqueue_dma source(%dma_start3A_95 : memref<128xi32, #tpu.memory_space<hbm>>) target(%arg5 : memref<128xi32, #tpu.memory_space<vmem>>) target_semaphore(%run_scoped3A : memref<!tpu.dma_semaphore, #tpu.memory_space<semaphore_mem>>)
          %dma_wait3A_96 = tpu.memref_slice %arg3[%add3A_90] : memref<802816xi32, #tpu.memory_space<hbm>> -> memref<128xi32, #tpu.memory_space<hbm>>
          %dma_wait3A_97 = tpu.memref_slice %arg3[%add3A_90] : memref<802816xi32, #tpu.memory_space<hbm>> -> memref<128xi32, #tpu.memory_space<hbm>>
          tpu.wait_dma2 semaphore(%run_scoped3A : memref<!tpu.dma_semaphore, #tpu.memory_space<semaphore_mem>>) src(%dma_wait3A_97 : memref<128xi32, #tpu.memory_space<hbm>>) dst(%arg5 : memref<128xi32, #tpu.memory_space<vmem>>)
          tpu.yield
        }) : () -> ()
        %dma_start3A_91 = arith.constant 0 : i32
        %dma_start3A_92 = arith.constant 0 : i32
        %dma_start3A_93 = tpu.memref_slice %arg2[%dma_start3A_91, %dma_start3A_92] : memref<50000x128xf32, #tpu.memory_space<hbm>> -> memref<50000x128xf32, #tpu.memory_space<hbm>>
        tpu.enqueue_indirect_dma source(%dma_start3A_93 : memref<50000x128xf32, #tpu.memory_space<hbm>>) target(%arg7 : memref<128x128xf32, #tpu.memory_space<vmem>>) offsets(%arg5 : memref<128xi32, #tpu.memory_space<vmem>>) semaphore(%arg9 : memref<!tpu.dma_semaphore, #tpu.memory_space<semaphore_mem>>)
      } else {
      }
      %add3A_55 = arith.constant 1 : i32
      %add3A_56 = arith.addi %mul3A_36, %add3A_55 : i32
      %dma_wait3A_57 = arith.constant 0 : i32
      %dma_wait3A_58 = arith.constant 0 : i32
      %dma_wait3A_59 = tpu.memref_slice %arg2[%dma_wait3A_57, %dma_wait3A_58] : memref<50000x128xf32, #tpu.memory_space<hbm>> -> memref<50000x128xf32, #tpu.memory_space<hbm>>
      tpu.wait_indirect_dma semaphore(%arg10 : memref<!tpu.dma_semaphore, #tpu.memory_space<semaphore_mem>>) src(%dma_wait3A_59 : memref<50000x128xf32, #tpu.memory_space<hbm>>) dst(%arg8 : memref<128x128xf32, #tpu.memory_space<vmem>>)
      %mul3A_60 = arith.constant 32 : i32
      %mul3A_61 = arith.muli %add3A_56, %mul3A_60 : i32
      %add3A_62 = arith.addi %mul3A_61, %add3A : i32
      %mul3A_63 = arith.constant 128 : i32
      %mul3A_64 = arith.muli %add3A_62, %mul3A_63 : i32
      %dma_start3A_65 = arith.constant 0 : i32
      %dma_start3A_66 = tpu.memref_slice %arg4[%mul3A_64, %dma_start3A_65] : memref<401408x128xf32, #tpu.memory_space<hbm>> -> memref<128x128xf32, #tpu.memory_space<hbm>>
      %dma_start3A_67 = arith.constant 0 : i32
      %dma_start3A_68 = tpu.memref_slice %arg4[%mul3A_64, %dma_start3A_67] : memref<401408x128xf32, #tpu.memory_space<hbm>> -> memref<128x128xf32, #tpu.memory_space<hbm>>
      tpu.enqueue_dma source(%arg8 : memref<128x128xf32, #tpu.memory_space<vmem>>) target(%dma_start3A_68 : memref<128x128xf32, #tpu.memory_space<hbm>>) target_semaphore(%arg12 : memref<!tpu.dma_semaphore, #tpu.memory_space<semaphore_mem>>)
      %add3A_69 = arith.constant 2 : i32
      %add3A_70 = arith.addi %add3A_56, %add3A_69 : i32
      %lt3A_71 = arith.constant 98 : i32
      %lt3A_72 = arith.cmpi slt, %add3A_70, %lt3A_71 : i32
      %convert_element_type3A_73 = arith.extui %lt3A_72 : i1 to i32
      %cond3A_74 = arith.constant 0 : i32
      %cond3A_75 = arith.cmpi ne, %convert_element_type3A_73, %cond3A_74 : i32
      scf.if %cond3A_75 {
        %dma_wait3A_76 = arith.constant 0 : i32
        %dma_wait3A_77 = arith.constant 0 : i32
        %dma_wait3A_78 = tpu.memref_slice %arg4[%dma_wait3A_76, %dma_wait3A_77] : memref<401408x128xf32, #tpu.memory_space<hbm>> -> memref<128x128xf32, #tpu.memory_space<hbm>>
        %dma_wait3A_79 = arith.constant 0 : i32
        %dma_wait3A_80 = arith.constant 0 : i32
        %dma_wait3A_81 = tpu.memref_slice %arg4[%dma_wait3A_79, %dma_wait3A_80] : memref<401408x128xf32, #tpu.memory_space<hbm>> -> memref<128x128xf32, #tpu.memory_space<hbm>>
        tpu.wait_dma2 semaphore(%arg12 : memref<!tpu.dma_semaphore, #tpu.memory_space<semaphore_mem>>) src(%arg8 : memref<128x128xf32, #tpu.memory_space<vmem>>) dst(%dma_wait3A_81 : memref<128x128xf32, #tpu.memory_space<hbm>>)
        %add3A_82 = arith.constant 2 : i32
        %add3A_83 = arith.addi %add3A_56, %add3A_82 : i32
        %mul3A_84 = arith.constant 32 : i32
        %mul3A_85 = arith.muli %add3A_83, %mul3A_84 : i32
        %add3A_86 = arith.addi %mul3A_85, %add3A : i32
        %mul3A_87 = arith.constant 128 : i32
        %mul3A_88 = arith.muli %add3A_86, %mul3A_87 : i32
        %add3A_89 = arith.constant 0 : i32
        %add3A_90 = arith.addi %add3A_89, %mul3A_88 : i32
        "tpu.region"() ({
          %run_scoped3A = tpu.sem_alloc : memref<!tpu.dma_semaphore, #tpu.memory_space<semaphore_mem>>
          %dma_start3A_94 = tpu.memref_slice %arg3[%add3A_90] : memref<802816xi32, #tpu.memory_space<hbm>> -> memref<128xi32, #tpu.memory_space<hbm>>
          %dma_start3A_95 = tpu.memref_slice %arg3[%add3A_90] : memref<802816xi32, #tpu.memory_space<hbm>> -> memref<128xi32, #tpu.memory_space<hbm>>
          tpu.enqueue_dma source(%dma_start3A_95 : memref<128xi32, #tpu.memory_space<hbm>>) target(%arg6 : memref<128xi32, #tpu.memory_space<vmem>>) target_semaphore(%run_scoped3A : memref<!tpu.dma_semaphore, #tpu.memory_space<semaphore_mem>>)
          %dma_wait3A_96 = tpu.memref_slice %arg3[%add3A_90] : memref<802816xi32, #tpu.memory_space<hbm>> -> memref<128xi32, #tpu.memory_space<hbm>>
          %dma_wait3A_97 = tpu.memref_slice %arg3[%add3A_90] : memref<802816xi32, #tpu.memory_space<hbm>> -> memref<128xi32, #tpu.memory_space<hbm>>
          tpu.wait_dma2 semaphore(%run_scoped3A : memref<!tpu.dma_semaphore, #tpu.memory_space<semaphore_mem>>) src(%dma_wait3A_97 : memref<128xi32, #tpu.memory_space<hbm>>) dst(%arg6 : memref<128xi32, #tpu.memory_space<vmem>>)
          tpu.yield
        }) : () -> ()
        %dma_start3A_91 = arith.constant 0 : i32
        %dma_start3A_92 = arith.constant 0 : i32
        %dma_start3A_93 = tpu.memref_slice %arg2[%dma_start3A_91, %dma_start3A_92] : memref<50000x128xf32, #tpu.memory_space<hbm>> -> memref<50000x128xf32, #tpu.memory_space<hbm>>
        tpu.enqueue_indirect_dma source(%dma_start3A_93 : memref<50000x128xf32, #tpu.memory_space<hbm>>) target(%arg8 : memref<128x128xf32, #tpu.memory_space<vmem>>) offsets(%arg6 : memref<128xi32, #tpu.memory_space<vmem>>) semaphore(%arg10 : memref<!tpu.dma_semaphore, #tpu.memory_space<semaphore_mem>>)
      } else {
      }
    }
    %scan3A_22 = arith.constant 49 : i32
    %dma_wait3A = arith.constant 0 : i32
    %dma_wait3A_23 = arith.constant 0 : i32
    %dma_wait3A_24 = tpu.memref_slice %arg4[%dma_wait3A, %dma_wait3A_23] : memref<401408x128xf32, #tpu.memory_space<hbm>> -> memref<128x128xf32, #tpu.memory_space<hbm>>
    %dma_wait3A_25 = arith.constant 0 : i32
    %dma_wait3A_26 = arith.constant 0 : i32
    %dma_wait3A_27 = tpu.memref_slice %arg4[%dma_wait3A_25, %dma_wait3A_26] : memref<401408x128xf32, #tpu.memory_space<hbm>> -> memref<128x128xf32, #tpu.memory_space<hbm>>
    tpu.wait_dma2 semaphore(%arg11 : memref<!tpu.dma_semaphore, #tpu.memory_space<semaphore_mem>>) src(%arg7 : memref<128x128xf32, #tpu.memory_space<vmem>>) dst(%dma_wait3A_27 : memref<128x128xf32, #tpu.memory_space<hbm>>)
    %dma_wait3A_28 = arith.constant 0 : i32
    %dma_wait3A_29 = arith.constant 0 : i32
    %dma_wait3A_30 = tpu.memref_slice %arg4[%dma_wait3A_28, %dma_wait3A_29] : memref<401408x128xf32, #tpu.memory_space<hbm>> -> memref<128x128xf32, #tpu.memory_space<hbm>>
    %dma_wait3A_31 = arith.constant 0 : i32
    %dma_wait3A_32 = arith.constant 0 : i32
    %dma_wait3A_33 = tpu.memref_slice %arg4[%dma_wait3A_31, %dma_wait3A_32] : memref<401408x128xf32, #tpu.memory_space<hbm>> -> memref<128x128xf32, #tpu.memory_space<hbm>>
    tpu.wait_dma2 semaphore(%arg12 : memref<!tpu.dma_semaphore, #tpu.memory_space<semaphore_mem>>) src(%arg8 : memref<128x128xf32, #tpu.memory_space<vmem>>) dst(%dma_wait3A_33 : memref<128x128xf32, #tpu.memory_space<hbm>>)
    return
  }
}

#map = affine_map<(d0, d1) -> (0, 0)>
#map1 = affine_map<(d0, d1) -> (0)>
module attributes {stable_mosaic.version = 14 : i64} {
  func.func @_sc_gather_chunk_body(%arg0: i32, %arg1: i32, %arg2: memref<50000x128xf32, #tpu.memory_space<hbm>>, %arg3: memref<802816xi32, #tpu.memory_space<hbm>>, %arg4: memref<401408x128xf32, #tpu.memory_space<hbm>>, %arg5: memref<128xi32, #tpu.memory_space<vmem>>, %arg6: memref<128xi32, #tpu.memory_space<vmem>>, %arg7: memref<128x128xf32, #tpu.memory_space<vmem>>, %arg8: memref<128x128xf32, #tpu.memory_space<vmem>>, %arg9: memref<!tpu.dma_semaphore, #tpu.memory_space<semaphore_mem>>, %arg10: memref<!tpu.dma_semaphore, #tpu.memory_space<semaphore_mem>>, %arg11: memref<!tpu.dma_semaphore, #tpu.memory_space<semaphore_mem>>, %arg12: memref<!tpu.dma_semaphore, #tpu.memory_space<semaphore_mem>>) attributes {dimension_semantics = [#tpu.dimension_semantics<core_parallel>, #tpu.dimension_semantics<subcore_parallel>], iteration_bounds = array<i64: 2, 16>, scalar_prefetch = 0 : i64, scratch_operands = 8 : i64, tpu.core_type = #tpu.core_type<sc_vector_subcore>, window_params = [{transform_indices = #map}, {transform_indices = #map1}, {transform_indices = #map}]} {
    %mul3A = arith.constant 2 : i32
    %mul3A_0 = arith.muli %arg1, %mul3A : i32
    %add3A = arith.addi %mul3A_0, %arg0 : i32
    %add3A_1 = arith.constant 0 : i32
    %add3A_2 = arith.addi %add3A_1, %add3A : i32
    %mul3A_3 = arith.constant 128 : i32
    %mul3A_4 = arith.muli %add3A_2, %mul3A_3 : i32
    %add3A_5 = arith.constant 401408 : i32
    %add3A_6 = arith.addi %add3A_5, %mul3A_4 : i32
    "tpu.region"() ({
      %run_scoped3A = tpu.sem_alloc : memref<!tpu.dma_semaphore, #tpu.memory_space<semaphore_mem>>
      %dma_start3A_34 = tpu.memref_slice %arg3[%add3A_6] : memref<802816xi32, #tpu.memory_space<hbm>> -> memref<128xi32, #tpu.memory_space<hbm>>
      %dma_start3A_35 = tpu.memref_slice %arg3[%add3A_6] : memref<802816xi32, #tpu.memory_space<hbm>> -> memref<128xi32, #tpu.memory_space<hbm>>
      tpu.enqueue_dma source(%dma_start3A_35 : memref<128xi32, #tpu.memory_space<hbm>>) target(%arg5 : memref<128xi32, #tpu.memory_space<vmem>>) target_semaphore(%run_scoped3A : memref<!tpu.dma_semaphore, #tpu.memory_space<semaphore_mem>>)
      %dma_wait3A_36 = tpu.memref_slice %arg3[%add3A_6] : memref<802816xi32, #tpu.memory_space<hbm>> -> memref<128xi32, #tpu.memory_space<hbm>>
      %dma_wait3A_37 = tpu.memref_slice %arg3[%add3A_6] : memref<802816xi32, #tpu.memory_space<hbm>> -> memref<128xi32, #tpu.memory_space<hbm>>
      tpu.wait_dma2 semaphore(%run_scoped3A : memref<!tpu.dma_semaphore, #tpu.memory_space<semaphore_mem>>) src(%dma_wait3A_37 : memref<128xi32, #tpu.memory_space<hbm>>) dst(%arg5 : memref<128xi32, #tpu.memory_space<vmem>>)
      tpu.yield
    }) : () -> ()
    %dma_start3A = arith.constant 0 : i32
    %dma_start3A_7 = arith.constant 0 : i32
    %dma_start3A_8 = tpu.memref_slice %arg2[%dma_start3A, %dma_start3A_7] : memref<50000x128xf32, #tpu.memory_space<hbm>> -> memref<50000x128xf32, #tpu.memory_space<hbm>>
    tpu.enqueue_indirect_dma source(%dma_start3A_8 : memref<50000x128xf32, #tpu.memory_space<hbm>>) target(%arg7 : memref<128x128xf32, #tpu.memory_space<vmem>>) offsets(%arg5 : memref<128xi32, #tpu.memory_space<vmem>>) semaphore(%arg9 : memref<!tpu.dma_semaphore, #tpu.memory_space<semaphore_mem>>)
    %add3A_9 = arith.constant 32 : i32
    %add3A_10 = arith.addi %add3A_9, %add3A : i32
    %mul3A_11 = arith.constant 128 : i32
    %mul3A_12 = arith.muli %add3A_10, %mul3A_11 : i32
    %add3A_13 = arith.constant 401408 : i32
    %add3A_14 = arith.addi %add3A_13, %mul3A_12 : i32
    "tpu.region"() ({
      %run_scoped3A = tpu.sem_alloc : memref<!tpu.dma_semaphore, #tpu.memory_space<semaphore_mem>>
      %dma_start3A_34 = tpu.memref_slice %arg3[%add3A_14] : memref<802816xi32, #tpu.memory_space<hbm>> -> memref<128xi32, #tpu.memory_space<hbm>>
      %dma_start3A_35 = tpu.memref_slice %arg3[%add3A_14] : memref<802816xi32, #tpu.memory_space<hbm>> -> memref<128xi32, #tpu.memory_space<hbm>>
      tpu.enqueue_dma source(%dma_start3A_35 : memref<128xi32, #tpu.memory_space<hbm>>) target(%arg6 : memref<128xi32, #tpu.memory_space<vmem>>) target_semaphore(%run_scoped3A : memref<!tpu.dma_semaphore, #tpu.memory_space<semaphore_mem>>)
      %dma_wait3A_36 = tpu.memref_slice %arg3[%add3A_14] : memref<802816xi32, #tpu.memory_space<hbm>> -> memref<128xi32, #tpu.memory_space<hbm>>
      %dma_wait3A_37 = tpu.memref_slice %arg3[%add3A_14] : memref<802816xi32, #tpu.memory_space<hbm>> -> memref<128xi32, #tpu.memory_space<hbm>>
      tpu.wait_dma2 semaphore(%run_scoped3A : memref<!tpu.dma_semaphore, #tpu.memory_space<semaphore_mem>>) src(%dma_wait3A_37 : memref<128xi32, #tpu.memory_space<hbm>>) dst(%arg6 : memref<128xi32, #tpu.memory_space<vmem>>)
      tpu.yield
    }) : () -> ()
    %dma_start3A_15 = arith.constant 0 : i32
    %dma_start3A_16 = arith.constant 0 : i32
    %dma_start3A_17 = tpu.memref_slice %arg2[%dma_start3A_15, %dma_start3A_16] : memref<50000x128xf32, #tpu.memory_space<hbm>> -> memref<50000x128xf32, #tpu.memory_space<hbm>>
    tpu.enqueue_indirect_dma source(%dma_start3A_17 : memref<50000x128xf32, #tpu.memory_space<hbm>>) target(%arg8 : memref<128x128xf32, #tpu.memory_space<vmem>>) offsets(%arg6 : memref<128xi32, #tpu.memory_space<vmem>>) semaphore(%arg10 : memref<!tpu.dma_semaphore, #tpu.memory_space<semaphore_mem>>)
    %scan3A = arith.constant 0 : i32
    %scan3A_18 = arith.constant 0 : i32
    %scan3A_19 = arith.constant 49 : i32
    %scan3A_20 = arith.addi %scan3A_18, %scan3A_19 : i32
    %scan3A_21 = arith.constant 1 : i32
    scf.for %scan3A_34 = %scan3A_18 to %scan3A_20 step %scan3A_21  : i32 {
      %mul3A_35 = arith.constant 2 : i32
      %mul3A_36 = arith.muli %mul3A_35, %scan3A_34 : i32
      %add3A_37 = arith.constant 0 : i32
      %add3A_38 = arith.addi %mul3A_36, %add3A_37 : i32
      %dma_wait3A_39 = arith.constant 0 : i32
      %dma_wait3A_40 = arith.constant 0 : i32
      %dma_wait3A_41 = tpu.memref_slice %arg2[%dma_wait3A_39, %dma_wait3A_40] : memref<50000x128xf32, #tpu.memory_space<hbm>> -> memref<50000x128xf32, #tpu.memory_space<hbm>>
      tpu.wait_indirect_dma semaphore(%arg9 : memref<!tpu.dma_semaphore, #tpu.memory_space<semaphore_mem>>) src(%dma_wait3A_41 : memref<50000x128xf32, #tpu.memory_space<hbm>>) dst(%arg7 : memref<128x128xf32, #tpu.memory_space<vmem>>)
      %mul3A_42 = arith.constant 32 : i32
      %mul3A_43 = arith.muli %add3A_38, %mul3A_42 : i32
      %add3A_44 = arith.addi %mul3A_43, %add3A : i32
      %mul3A_45 = arith.constant 128 : i32
      %mul3A_46 = arith.muli %add3A_44, %mul3A_45 : i32
      %dma_start3A_47 = arith.constant 0 : i32
      %dma_start3A_48 = tpu.memref_slice %arg4[%mul3A_46, %dma_start3A_47] : memref<401408x128xf32, #tpu.memory_space<hbm>> -> memref<128x128xf32, #tpu.memory_space<hbm>>
      %dma_start3A_49 = arith.constant 0 : i32
      %dma_start3A_50 = tpu.memref_slice %arg4[%mul3A_46, %dma_start3A_49] : memref<401408x128xf32, #tpu.memory_space<hbm>> -> memref<128x128xf32, #tpu.memory_space<hbm>>
      tpu.enqueue_dma source(%arg7 : memref<128x128xf32, #tpu.memory_space<vmem>>) target(%dma_start3A_50 : memref<128x128xf32, #tpu.memory_space<hbm>>) target_semaphore(%arg11 : memref<!tpu.dma_semaphore, #tpu.memory_space<semaphore_mem>>)
      %add3A_51 = arith.constant 2 : i32
      %add3A_52 = arith.addi %add3A_38, %add3A_51 : i32
      %lt3A = arith.constant 98 : i32
      %lt3A_53 = arith.cmpi slt, %add3A_52, %lt3A : i32
      %convert_element_type3A = arith.extui %lt3A_53 : i1 to i32
      %cond3A = arith.constant 0 : i32
      %cond3A_54 = arith.cmpi ne, %convert_element_type3A, %cond3A : i32
      scf.if %cond3A_54 {
        %dma_wait3A_76 = arith.constant 0 : i32
        %dma_wait3A_77 = arith.constant 0 : i32
        %dma_wait3A_78 = tpu.memref_slice %arg4[%dma_wait3A_76, %dma_wait3A_77] : memref<401408x128xf32, #tpu.memory_space<hbm>> -> memref<128x128xf32, #tpu.memory_space<hbm>>
        %dma_wait3A_79 = arith.constant 0 : i32
        %dma_wait3A_80 = arith.constant 0 : i32
        %dma_wait3A_81 = tpu.memref_slice %arg4[%dma_wait3A_79, %dma_wait3A_80] : memref<401408x128xf32, #tpu.memory_space<hbm>> -> memref<128x128xf32, #tpu.memory_space<hbm>>
        tpu.wait_dma2 semaphore(%arg11 : memref<!tpu.dma_semaphore, #tpu.memory_space<semaphore_mem>>) src(%arg7 : memref<128x128xf32, #tpu.memory_space<vmem>>) dst(%dma_wait3A_81 : memref<128x128xf32, #tpu.memory_space<hbm>>)
        %add3A_82 = arith.constant 2 : i32
        %add3A_83 = arith.addi %add3A_38, %add3A_82 : i32
        %mul3A_84 = arith.constant 32 : i32
        %mul3A_85 = arith.muli %add3A_83, %mul3A_84 : i32
        %add3A_86 = arith.addi %mul3A_85, %add3A : i32
        %mul3A_87 = arith.constant 128 : i32
        %mul3A_88 = arith.muli %add3A_86, %mul3A_87 : i32
        %add3A_89 = arith.constant 401408 : i32
        %add3A_90 = arith.addi %add3A_89, %mul3A_88 : i32
        "tpu.region"() ({
          %run_scoped3A = tpu.sem_alloc : memref<!tpu.dma_semaphore, #tpu.memory_space<semaphore_mem>>
          %dma_start3A_94 = tpu.memref_slice %arg3[%add3A_90] : memref<802816xi32, #tpu.memory_space<hbm>> -> memref<128xi32, #tpu.memory_space<hbm>>
          %dma_start3A_95 = tpu.memref_slice %arg3[%add3A_90] : memref<802816xi32, #tpu.memory_space<hbm>> -> memref<128xi32, #tpu.memory_space<hbm>>
          tpu.enqueue_dma source(%dma_start3A_95 : memref<128xi32, #tpu.memory_space<hbm>>) target(%arg5 : memref<128xi32, #tpu.memory_space<vmem>>) target_semaphore(%run_scoped3A : memref<!tpu.dma_semaphore, #tpu.memory_space<semaphore_mem>>)
          %dma_wait3A_96 = tpu.memref_slice %arg3[%add3A_90] : memref<802816xi32, #tpu.memory_space<hbm>> -> memref<128xi32, #tpu.memory_space<hbm>>
          %dma_wait3A_97 = tpu.memref_slice %arg3[%add3A_90] : memref<802816xi32, #tpu.memory_space<hbm>> -> memref<128xi32, #tpu.memory_space<hbm>>
          tpu.wait_dma2 semaphore(%run_scoped3A : memref<!tpu.dma_semaphore, #tpu.memory_space<semaphore_mem>>) src(%dma_wait3A_97 : memref<128xi32, #tpu.memory_space<hbm>>) dst(%arg5 : memref<128xi32, #tpu.memory_space<vmem>>)
          tpu.yield
        }) : () -> ()
        %dma_start3A_91 = arith.constant 0 : i32
        %dma_start3A_92 = arith.constant 0 : i32
        %dma_start3A_93 = tpu.memref_slice %arg2[%dma_start3A_91, %dma_start3A_92] : memref<50000x128xf32, #tpu.memory_space<hbm>> -> memref<50000x128xf32, #tpu.memory_space<hbm>>
        tpu.enqueue_indirect_dma source(%dma_start3A_93 : memref<50000x128xf32, #tpu.memory_space<hbm>>) target(%arg7 : memref<128x128xf32, #tpu.memory_space<vmem>>) offsets(%arg5 : memref<128xi32, #tpu.memory_space<vmem>>) semaphore(%arg9 : memref<!tpu.dma_semaphore, #tpu.memory_space<semaphore_mem>>)
      } else {
      }
      %add3A_55 = arith.constant 1 : i32
      %add3A_56 = arith.addi %mul3A_36, %add3A_55 : i32
      %dma_wait3A_57 = arith.constant 0 : i32
      %dma_wait3A_58 = arith.constant 0 : i32
      %dma_wait3A_59 = tpu.memref_slice %arg2[%dma_wait3A_57, %dma_wait3A_58] : memref<50000x128xf32, #tpu.memory_space<hbm>> -> memref<50000x128xf32, #tpu.memory_space<hbm>>
      tpu.wait_indirect_dma semaphore(%arg10 : memref<!tpu.dma_semaphore, #tpu.memory_space<semaphore_mem>>) src(%dma_wait3A_59 : memref<50000x128xf32, #tpu.memory_space<hbm>>) dst(%arg8 : memref<128x128xf32, #tpu.memory_space<vmem>>)
      %mul3A_60 = arith.constant 32 : i32
      %mul3A_61 = arith.muli %add3A_56, %mul3A_60 : i32
      %add3A_62 = arith.addi %mul3A_61, %add3A : i32
      %mul3A_63 = arith.constant 128 : i32
      %mul3A_64 = arith.muli %add3A_62, %mul3A_63 : i32
      %dma_start3A_65 = arith.constant 0 : i32
      %dma_start3A_66 = tpu.memref_slice %arg4[%mul3A_64, %dma_start3A_65] : memref<401408x128xf32, #tpu.memory_space<hbm>> -> memref<128x128xf32, #tpu.memory_space<hbm>>
      %dma_start3A_67 = arith.constant 0 : i32
      %dma_start3A_68 = tpu.memref_slice %arg4[%mul3A_64, %dma_start3A_67] : memref<401408x128xf32, #tpu.memory_space<hbm>> -> memref<128x128xf32, #tpu.memory_space<hbm>>
      tpu.enqueue_dma source(%arg8 : memref<128x128xf32, #tpu.memory_space<vmem>>) target(%dma_start3A_68 : memref<128x128xf32, #tpu.memory_space<hbm>>) target_semaphore(%arg12 : memref<!tpu.dma_semaphore, #tpu.memory_space<semaphore_mem>>)
      %add3A_69 = arith.constant 2 : i32
      %add3A_70 = arith.addi %add3A_56, %add3A_69 : i32
      %lt3A_71 = arith.constant 98 : i32
      %lt3A_72 = arith.cmpi slt, %add3A_70, %lt3A_71 : i32
      %convert_element_type3A_73 = arith.extui %lt3A_72 : i1 to i32
      %cond3A_74 = arith.constant 0 : i32
      %cond3A_75 = arith.cmpi ne, %convert_element_type3A_73, %cond3A_74 : i32
      scf.if %cond3A_75 {
        %dma_wait3A_76 = arith.constant 0 : i32
        %dma_wait3A_77 = arith.constant 0 : i32
        %dma_wait3A_78 = tpu.memref_slice %arg4[%dma_wait3A_76, %dma_wait3A_77] : memref<401408x128xf32, #tpu.memory_space<hbm>> -> memref<128x128xf32, #tpu.memory_space<hbm>>
        %dma_wait3A_79 = arith.constant 0 : i32
        %dma_wait3A_80 = arith.constant 0 : i32
        %dma_wait3A_81 = tpu.memref_slice %arg4[%dma_wait3A_79, %dma_wait3A_80] : memref<401408x128xf32, #tpu.memory_space<hbm>> -> memref<128x128xf32, #tpu.memory_space<hbm>>
        tpu.wait_dma2 semaphore(%arg12 : memref<!tpu.dma_semaphore, #tpu.memory_space<semaphore_mem>>) src(%arg8 : memref<128x128xf32, #tpu.memory_space<vmem>>) dst(%dma_wait3A_81 : memref<128x128xf32, #tpu.memory_space<hbm>>)
        %add3A_82 = arith.constant 2 : i32
        %add3A_83 = arith.addi %add3A_56, %add3A_82 : i32
        %mul3A_84 = arith.constant 32 : i32
        %mul3A_85 = arith.muli %add3A_83, %mul3A_84 : i32
        %add3A_86 = arith.addi %mul3A_85, %add3A : i32
        %mul3A_87 = arith.constant 128 : i32
        %mul3A_88 = arith.muli %add3A_86, %mul3A_87 : i32
        %add3A_89 = arith.constant 401408 : i32
        %add3A_90 = arith.addi %add3A_89, %mul3A_88 : i32
        "tpu.region"() ({
          %run_scoped3A = tpu.sem_alloc : memref<!tpu.dma_semaphore, #tpu.memory_space<semaphore_mem>>
          %dma_start3A_94 = tpu.memref_slice %arg3[%add3A_90] : memref<802816xi32, #tpu.memory_space<hbm>> -> memref<128xi32, #tpu.memory_space<hbm>>
          %dma_start3A_95 = tpu.memref_slice %arg3[%add3A_90] : memref<802816xi32, #tpu.memory_space<hbm>> -> memref<128xi32, #tpu.memory_space<hbm>>
          tpu.enqueue_dma source(%dma_start3A_95 : memref<128xi32, #tpu.memory_space<hbm>>) target(%arg6 : memref<128xi32, #tpu.memory_space<vmem>>) target_semaphore(%run_scoped3A : memref<!tpu.dma_semaphore, #tpu.memory_space<semaphore_mem>>)
          %dma_wait3A_96 = tpu.memref_slice %arg3[%add3A_90] : memref<802816xi32, #tpu.memory_space<hbm>> -> memref<128xi32, #tpu.memory_space<hbm>>
          %dma_wait3A_97 = tpu.memref_slice %arg3[%add3A_90] : memref<802816xi32, #tpu.memory_space<hbm>> -> memref<128xi32, #tpu.memory_space<hbm>>
          tpu.wait_dma2 semaphore(%run_scoped3A : memref<!tpu.dma_semaphore, #tpu.memory_space<semaphore_mem>>) src(%dma_wait3A_97 : memref<128xi32, #tpu.memory_space<hbm>>) dst(%arg6 : memref<128xi32, #tpu.memory_space<vmem>>)
          tpu.yield
        }) : () -> ()
        %dma_start3A_91 = arith.constant 0 : i32
        %dma_start3A_92 = arith.constant 0 : i32
        %dma_start3A_93 = tpu.memref_slice %arg2[%dma_start3A_91, %dma_start3A_92] : memref<50000x128xf32, #tpu.memory_space<hbm>> -> memref<50000x128xf32, #tpu.memory_space<hbm>>
        tpu.enqueue_indirect_dma source(%dma_start3A_93 : memref<50000x128xf32, #tpu.memory_space<hbm>>) target(%arg8 : memref<128x128xf32, #tpu.memory_space<vmem>>) offsets(%arg6 : memref<128xi32, #tpu.memory_space<vmem>>) semaphore(%arg10 : memref<!tpu.dma_semaphore, #tpu.memory_space<semaphore_mem>>)
      } else {
      }
    }
    %scan3A_22 = arith.constant 49 : i32
    %dma_wait3A = arith.constant 0 : i32
    %dma_wait3A_23 = arith.constant 0 : i32
    %dma_wait3A_24 = tpu.memref_slice %arg4[%dma_wait3A, %dma_wait3A_23] : memref<401408x128xf32, #tpu.memory_space<hbm>> -> memref<128x128xf32, #tpu.memory_space<hbm>>
    %dma_wait3A_25 = arith.constant 0 : i32
    %dma_wait3A_26 = arith.constant 0 : i32
    %dma_wait3A_27 = tpu.memref_slice %arg4[%dma_wait3A_25, %dma_wait3A_26] : memref<401408x128xf32, #tpu.memory_space<hbm>> -> memref<128x128xf32, #tpu.memory_space<hbm>>
    tpu.wait_dma2 semaphore(%arg11 : memref<!tpu.dma_semaphore, #tpu.memory_space<semaphore_mem>>) src(%arg7 : memref<128x128xf32, #tpu.memory_space<vmem>>) dst(%dma_wait3A_27 : memref<128x128xf32, #tpu.memory_space<hbm>>)
    %dma_wait3A_28 = arith.constant 0 : i32
    %dma_wait3A_29 = arith.constant 0 : i32
    %dma_wait3A_30 = tpu.memref_slice %arg4[%dma_wait3A_28, %dma_wait3A_29] : memref<401408x128xf32, #tpu.memory_space<hbm>> -> memref<128x128xf32, #tpu.memory_space<hbm>>
    %dma_wait3A_31 = arith.constant 0 : i32
    %dma_wait3A_32 = arith.constant 0 : i32
    %dma_wait3A_33 = tpu.memref_slice %arg4[%dma_wait3A_31, %dma_wait3A_32] : memref<401408x128xf32, #tpu.memory_space<hbm>> -> memref<128x128xf32, #tpu.memory_space<hbm>>
    tpu.wait_dma2 semaphore(%arg12 : memref<!tpu.dma_semaphore, #tpu.memory_space<semaphore_mem>>) src(%arg8 : memref<128x128xf32, #tpu.memory_space<vmem>>) dst(%dma_wait3A_33 : memref<128x128xf32, #tpu.memory_space<hbm>>)
    return
  }
}

module attributes {stable_mosaic.version = 14 : i64} {
  func.func @_tc_body(%arg0: i32, %arg1: memref<16000x128xf32, #tpu.memory_space<vmem>>, %arg2: memref<1000x128xf32, #tpu.memory_space<vmem>>, %arg3: memref<128x128xf32, #tpu.memory_space<vmem>>, %arg4: memref<8x128xf32, #tpu.memory_space<vmem>>, %arg5: memref<128x128xf32, #tpu.memory_space<vmem>>, %arg6: memref<1x128xf32, #tpu.memory_space<vmem>>, %arg7: memref<1x128xf32, #tpu.memory_space<vmem>>, %arg8: memref<1x128xf32, #tpu.memory_space<vmem>>, %arg9: memref<1x128xf32, #tpu.memory_space<vmem>>, %arg10: memref<1x128xf32, #tpu.memory_space<vmem>>, %arg11: memref<128x8xf32, #tpu.memory_space<vmem>>, %arg12: memref<1x8xf32, #tpu.memory_space<vmem>>, %arg13: memref<1x8xf32, #tpu.memory_space<vmem>>, %arg14: memref<128x8xf32, #tpu.memory_space<vmem>>, %arg15: memref<1x8xf32, #tpu.memory_space<vmem>>, %arg16: memref<1x8xf32, #tpu.memory_space<vmem>>, %arg17: memref<8x8xf32, #tpu.memory_space<vmem>>, %arg18: memref<8x128xf32, #tpu.memory_space<vmem>>, %arg19: memref<1000x64xf32, #tpu.memory_space<vmem>>) attributes {dimension_semantics = [#tpu.dimension_semantics<arbitrary>], iteration_bounds = array<i64: 25>, scalar_prefetch = 0 : i64, scratch_operands = 0 : i64, tpu.core_type = #tpu.core_type<tc>, window_params = [{transform_indices = @transform_0, window_bounds = array<i64: 16000, 128>}, {transform_indices = @transform_1, window_bounds = array<i64: 1000, 128>}, {pipeline_mode = #tpu.pipeline_mode<synchronous>, transform_indices = @transform_2, window_bounds = array<i64: 128, 128>}, {pipeline_mode = #tpu.pipeline_mode<synchronous>, transform_indices = @transform_3, window_bounds = array<i64: 8, 128>}, {pipeline_mode = #tpu.pipeline_mode<synchronous>, transform_indices = @transform_4, window_bounds = array<i64: 128, 128>}, {pipeline_mode = #tpu.pipeline_mode<synchronous>, transform_indices = @transform_5, window_bounds = array<i64: 1, 128>}, {pipeline_mode = #tpu.pipeline_mode<synchronous>, transform_indices = @transform_6, window_bounds = array<i64: 1, 128>}, {pipeline_mode = #tpu.pipeline_mode<synchronous>, transform_indices = @transform_7, window_bounds = array<i64: 1, 128>}, {pipeline_mode = #tpu.pipeline_mode<synchronous>, transform_indices = @transform_8, window_bounds = array<i64: 1, 128>}, {pipeline_mode = #tpu.pipeline_mode<synchronous>, transform_indices = @transform_9, window_bounds = array<i64: 1, 128>}, {pipeline_mode = #tpu.pipeline_mode<synchronous>, transform_indices = @transform_10, window_bounds = array<i64: 128, 8>}, {pipeline_mode = #tpu.pipeline_mode<synchronous>, transform_indices = @transform_11, window_bounds = array<i64: 1, 8>}, {pipeline_mode = #tpu.pipeline_mode<synchronous>, transform_indices = @transform_12, window_bounds = array<i64: 1, 8>}, {pipeline_mode = #tpu.pipeline_mode<synchronous>, transform_indices = @transform_13, window_bounds = array<i64: 128, 8>}, {pipeline_mode = #tpu.pipeline_mode<synchronous>, transform_indices = @transform_14, window_bounds = array<i64: 1, 8>}, {pipeline_mode = #tpu.pipeline_mode<synchronous>, transform_indices = @transform_15, window_bounds = array<i64: 1, 8>}, {pipeline_mode = #tpu.pipeline_mode<synchronous>, transform_indices = @transform_16, window_bounds = array<i64: 8, 8>}, {pipeline_mode = #tpu.pipeline_mode<synchronous>, transform_indices = @transform_17, window_bounds = array<i64: 8, 128>}, {transform_indices = @transform_18, window_bounds = array<i64: 1000, 64>}]} {
    %get3A = arith.constant 0 : index
    %get3A_0 = arith.constant 0 : index
    %get3A_1 = vector.load %arg1[%get3A, %get3A_0] : memref<16000x128xf32, #tpu.memory_space<vmem>>, vector<16000x128xf32>
    %get3A_2 = arith.constant 0 : index
    %get3A_3 = arith.constant 0 : index
    %get3A_4 = vector.load %arg2[%get3A_2, %get3A_3] : memref<1000x128xf32, #tpu.memory_space<vmem>>, vector<1000x128xf32>
    %get3A_5 = arith.constant 0 : index
    %get3A_6 = arith.constant 0 : index
    %get3A_7 = vector.load %arg5[%get3A_5, %get3A_6] : memref<128x128xf32, #tpu.memory_space<vmem>>, vector<128x128xf32>
    %dot_general3A = arith.constant dense<0.000000e+00> : vector<1000x128xf32>
    %dot_general3A_8 = tpu.matmul %get3A_4, %get3A_7, %dot_general3A {dimension_numbers = #tpu.dot_dimension_numbers<[1], [0], [0], [1], [0, 0, 1, 1], [], []>, transpose_lhs_hint = false} : vector<1000x128xf32>, vector<128x128xf32>, vector<1000x128xf32> -> vector<1000x128xf32>
    %get3A_9 = arith.constant 0 : index
    %get3A_10 = arith.constant 0 : index
    %get3A_11 = vector.load %arg6[%get3A_9, %get3A_10] : memref<1x128xf32, #tpu.memory_space<vmem>>, vector<1x128xf32>
    %add3A = vector.broadcast %get3A_11 : vector<1x128xf32> to vector<1000x128xf32>
    %add3A_12 = arith.addf %dot_general3A_8, %add3A : vector<1000x128xf32>
    %get3A_13 = arith.constant 0 : index
    %get3A_14 = arith.constant 0 : index
    %get3A_15 = vector.load %arg11[%get3A_13, %get3A_14] : memref<128x8xf32, #tpu.memory_space<vmem>>, vector<128x8xf32>
    %dot_general3A_16 = arith.constant dense<0.000000e+00> : vector<16000x8xf32>
    %dot_general3A_17 = tpu.matmul %get3A_1, %get3A_15, %dot_general3A_16 {dimension_numbers = #tpu.dot_dimension_numbers<[1], [0], [0], [1], [0, 0, 1, 1], [], []>, transpose_lhs_hint = false} : vector<16000x128xf32>, vector<128x8xf32>, vector<16000x8xf32> -> vector<16000x8xf32>
    %get3A_18 = arith.constant 0 : index
    %get3A_19 = arith.constant 0 : index
    %get3A_20 = vector.load %arg11[%get3A_18, %get3A_19] : memref<128x8xf32, #tpu.memory_space<vmem>>, vector<128x8xf32>
    %dot_general3A_21 = arith.constant dense<0.000000e+00> : vector<1000x8xf32>
    %dot_general3A_22 = tpu.matmul %get3A_4, %get3A_20, %dot_general3A_21 {dimension_numbers = #tpu.dot_dimension_numbers<[1], [0], [0], [1], [0, 0, 1, 1], [], []>, transpose_lhs_hint = false} : vector<1000x128xf32>, vector<128x8xf32>, vector<1000x8xf32> -> vector<1000x8xf32>
    %reshape3A = vector.shape_cast %dot_general3A_17 : vector<16000x8xf32> to vector<1000x16x8xf32>
    %reshape3A_23 = vector.shape_cast %dot_general3A_22 : vector<1000x8xf32> to vector<1000x1x8xf32>
    %sub3A = vector.broadcast %reshape3A_23 : vector<1000x1x8xf32> to vector<1000x16x8xf32>
    %sub3A_24 = arith.subf %reshape3A, %sub3A : vector<1000x16x8xf32>
    %reshape3A_25 = vector.shape_cast %sub3A_24 : vector<1000x16x8xf32> to vector<16000x8xf32>
    %get3A_26 = arith.constant 0 : index
    %get3A_27 = arith.constant 0 : index
    %get3A_28 = vector.load %arg12[%get3A_26, %get3A_27] : memref<1x8xf32, #tpu.memory_space<vmem>>, vector<1x8xf32>
    %mul3A = vector.broadcast %get3A_28 : vector<1x8xf32> to vector<16000x8xf32>
    %mul3A_29 = arith.mulf %reshape3A_25, %mul3A : vector<16000x8xf32>
    %get3A_30 = arith.constant 0 : index
    %get3A_31 = arith.constant 0 : index
    %get3A_32 = vector.load %arg13[%get3A_30, %get3A_31] : memref<1x8xf32, #tpu.memory_space<vmem>>, vector<1x8xf32>
    %add3A_33 = vector.broadcast %get3A_32 : vector<1x8xf32> to vector<16000x8xf32>
    %add3A_34 = arith.addf %mul3A_29, %add3A_33 : vector<16000x8xf32>
    %max3A = arith.constant 0.000000e+00 : f32
    %max3A_35 = vector.broadcast %max3A : f32 to vector<16000x8xf32>
    %max3A_36 = arith.maximumf %add3A_34, %max3A_35 : vector<16000x8xf32>
    %get3A_37 = arith.constant 0 : index
    %get3A_38 = arith.constant 0 : index
    %get3A_39 = vector.load %arg4[%get3A_37, %get3A_38] : memref<8x128xf32, #tpu.memory_space<vmem>>, vector<8x128xf32>
    %dot_general3A_40 = arith.constant dense<0.000000e+00> : vector<16000x128xf32>
    %dot_general3A_41 = tpu.matmul %max3A_36, %get3A_39, %dot_general3A_40 {dimension_numbers = #tpu.dot_dimension_numbers<[1], [0], [0], [1], [0, 0, 1, 1], [], []>, transpose_lhs_hint = false} : vector<16000x8xf32>, vector<8x128xf32>, vector<16000x128xf32> -> vector<16000x128xf32>
    %get3A_42 = arith.constant 0 : index
    %get3A_43 = arith.constant 0 : index
    %get3A_44 = vector.load %arg3[%get3A_42, %get3A_43] : memref<128x128xf32, #tpu.memory_space<vmem>>, vector<128x128xf32>
    %dot_general3A_45 = arith.constant dense<0.000000e+00> : vector<16000x128xf32>
    %dot_general3A_46 = tpu.matmul %get3A_1, %get3A_44, %dot_general3A_45 {dimension_numbers = #tpu.dot_dimension_numbers<[1], [0], [0], [1], [0, 0, 1, 1], [], []>, transpose_lhs_hint = false} : vector<16000x128xf32>, vector<128x128xf32>, vector<16000x128xf32> -> vector<16000x128xf32>
    %add3A_47 = arith.addf %dot_general3A_46, %dot_general3A_41 : vector<16000x128xf32>
    %reshape3A_48 = vector.shape_cast %add3A_47 : vector<16000x128xf32> to vector<1000x16x128xf32>
    %reshape3A_49 = vector.shape_cast %add3A_12 : vector<1000x128xf32> to vector<1000x1x128xf32>
    %sub3A_50 = vector.broadcast %reshape3A_49 : vector<1000x1x128xf32> to vector<1000x16x128xf32>
    %sub3A_51 = arith.subf %reshape3A_48, %sub3A_50 : vector<1000x16x128xf32>
    %reshape3A_52 = vector.shape_cast %sub3A_51 : vector<1000x16x128xf32> to vector<16000x128xf32>
    %get3A_53 = arith.constant 0 : index
    %get3A_54 = arith.constant 0 : index
    %get3A_55 = vector.load %arg7[%get3A_53, %get3A_54] : memref<1x128xf32, #tpu.memory_space<vmem>>, vector<1x128xf32>
    %add3A_56 = vector.broadcast %get3A_55 : vector<1x128xf32> to vector<16000x128xf32>
    %add3A_57 = arith.addf %reshape3A_52, %add3A_56 : vector<16000x128xf32>
    %get3A_58 = arith.constant 0 : index
    %get3A_59 = arith.constant 0 : index
    %get3A_60 = vector.load %arg8[%get3A_58, %get3A_59] : memref<1x128xf32, #tpu.memory_space<vmem>>, vector<1x128xf32>
    %max3A_61 = vector.broadcast %get3A_60 : vector<1x128xf32> to vector<16000x128xf32>
    %max3A_62 = arith.maximumf %add3A_57, %max3A_61 : vector<16000x128xf32>
    %get3A_63 = arith.constant 0 : index
    %get3A_64 = arith.constant 0 : index
    %get3A_65 = vector.load %arg14[%get3A_63, %get3A_64] : memref<128x8xf32, #tpu.memory_space<vmem>>, vector<128x8xf32>
    %dot_general3A_66 = arith.constant dense<0.000000e+00> : vector<16000x8xf32>
    %dot_general3A_67 = tpu.matmul %max3A_62, %get3A_65, %dot_general3A_66 {dimension_numbers = #tpu.dot_dimension_numbers<[1], [0], [0], [1], [0, 0, 1, 1], [], []>, transpose_lhs_hint = false} : vector<16000x128xf32>, vector<128x8xf32>, vector<16000x8xf32> -> vector<16000x8xf32>
    %get3A_68 = arith.constant 0 : index
    %get3A_69 = arith.constant 0 : index
    %get3A_70 = vector.load %arg15[%get3A_68, %get3A_69] : memref<1x8xf32, #tpu.memory_space<vmem>>, vector<1x8xf32>
    %mul3A_71 = vector.broadcast %get3A_70 : vector<1x8xf32> to vector<16000x8xf32>
    %mul3A_72 = arith.mulf %dot_general3A_67, %mul3A_71 : vector<16000x8xf32>
    %get3A_73 = arith.constant 0 : index
    %get3A_74 = arith.constant 0 : index
    %get3A_75 = vector.load %arg16[%get3A_73, %get3A_74] : memref<1x8xf32, #tpu.memory_space<vmem>>, vector<1x8xf32>
    %add3A_76 = vector.broadcast %get3A_75 : vector<1x8xf32> to vector<16000x8xf32>
    %add3A_77 = arith.addf %mul3A_72, %add3A_76 : vector<16000x8xf32>
    %max3A_78 = arith.constant 0.000000e+00 : f32
    %max3A_79 = vector.broadcast %max3A_78 : f32 to vector<16000x8xf32>
    %max3A_80 = arith.maximumf %add3A_77, %max3A_79 : vector<16000x8xf32>
    %get3A_81 = arith.constant 0 : index
    %get3A_82 = arith.constant 0 : index
    %get3A_83 = vector.load %arg17[%get3A_81, %get3A_82] : memref<8x8xf32, #tpu.memory_space<vmem>>, vector<8x8xf32>
    %dot_general3A_84 = arith.constant dense<0.000000e+00> : vector<16000x8xf32>
    %dot_general3A_85 = tpu.matmul %max3A_80, %get3A_83, %dot_general3A_84 {dimension_numbers = #tpu.dot_dimension_numbers<[1], [0], [0], [1], [0, 0, 1, 1], [], []>, transpose_lhs_hint = false} : vector<16000x8xf32>, vector<8x8xf32>, vector<16000x8xf32> -> vector<16000x8xf32>
    %exp3A = math.exp %dot_general3A_85 : vector<16000x8xf32>
    %get3A_86 = arith.constant 0 : index
    %get3A_87 = arith.constant 0 : index
    %get3A_88 = vector.load %arg18[%get3A_86, %get3A_87] : memref<8x128xf32, #tpu.memory_space<vmem>>, vector<8x128xf32>
    %dot_general3A_89 = arith.constant dense<0.000000e+00> : vector<16000x128xf32>
    %dot_general3A_90 = tpu.matmul %exp3A, %get3A_88, %dot_general3A_89 {dimension_numbers = #tpu.dot_dimension_numbers<[1], [0], [0], [1], [0, 0, 1, 1], [], []>, transpose_lhs_hint = false} : vector<16000x8xf32>, vector<8x128xf32>, vector<16000x128xf32> -> vector<16000x128xf32>
    %get3A_91 = arith.constant 0 : index
    %get3A_92 = arith.constant 0 : index
    %get3A_93 = vector.load %arg9[%get3A_91, %get3A_92] : memref<1x128xf32, #tpu.memory_space<vmem>>, vector<1x128xf32>
    %mul3A_94 = vector.broadcast %get3A_93 : vector<1x128xf32> to vector<16000x128xf32>
    %mul3A_95 = arith.mulf %max3A_62, %mul3A_94 : vector<16000x128xf32>
    %get3A_96 = arith.constant 0 : index
    %get3A_97 = arith.constant 0 : index
    %get3A_98 = vector.load %arg10[%get3A_96, %get3A_97] : memref<1x128xf32, #tpu.memory_space<vmem>>, vector<1x128xf32>
    %add3A_99 = vector.broadcast %get3A_98 : vector<1x128xf32> to vector<16000x128xf32>
    %add3A_100 = arith.addf %mul3A_95, %add3A_99 : vector<16000x128xf32>
    %mul3A_101 = arith.mulf %add3A_100, %dot_general3A_90 : vector<16000x128xf32>
    %reshape3A_102 = vector.shape_cast %mul3A_101 : vector<16000x128xf32> to vector<1000x16x128xf32>
    %reduce_sum3A = arith.constant dense<0.000000e+00> : vector<1000x128xf32>
    %reduce_sum3A_103 = vector.multi_reduction <add>, %reshape3A_102, %reduce_sum3A [1] : vector<1000x16x128xf32> to vector<1000x128xf32>
    %slice3A = vector.extract_strided_slice %reduce_sum3A_103 {offsets = [0, 64], sizes = [1000, 64], strides = [1, 1]} : vector<1000x128xf32> to vector<1000x64xf32>
    %slice3A_104 = vector.extract_strided_slice %reduce_sum3A_103 {offsets = [0, 0], sizes = [1000, 64], strides = [1, 1]} : vector<1000x128xf32> to vector<1000x64xf32>
    %div3A = arith.divf %slice3A, %slice3A_104 : vector<1000x64xf32>
    %swap3A = arith.constant 0 : index
    %swap3A_105 = arith.constant 0 : index
    %swap3A_106 = vector.load %arg19[%swap3A, %swap3A_105] : memref<1000x64xf32, #tpu.memory_space<vmem>>, vector<1000x64xf32>
    tpu.vector_store %arg19[%swap3A, %swap3A_105], %div3A {strides = array<i32>} : memref<1000x64xf32, #tpu.memory_space<vmem>>, vector<1000x64xf32>,
    return
  }
  func.func @transform_0(%arg0: i32) -> (i32, i32) {
    %c0_i32 = arith.constant 0 : i32
    %c0_i32_0 = arith.constant 0 : i32
    return %arg0, %c0_i32 : i32, i32
  }
  func.func @transform_1(%arg0: i32) -> (i32, i32) {
    %add3A = arith.constant 0 : i32
    %add3A_0 = arith.addi %arg0, %add3A : i32
    %c0_i32 = arith.constant 0 : i32
    %c0_i32_1 = arith.constant 0 : i32
    return %add3A_0, %c0_i32 : i32, i32
  }
  func.func @transform_2(%arg0: i32) -> (i32, i32) {
    %c0_i32 = arith.constant 0 : i32
    %c0_i32_0 = arith.constant 0 : i32
    %c0_i32_1 = arith.constant 0 : i32
    return %c0_i32, %c0_i32_0 : i32, i32
  }
  func.func @transform_3(%arg0: i32) -> (i32, i32) {
    %c0_i32 = arith.constant 0 : i32
    %c0_i32_0 = arith.constant 0 : i32
    %c0_i32_1 = arith.constant 0 : i32
    return %c0_i32, %c0_i32_0 : i32, i32
  }
  func.func @transform_4(%arg0: i32) -> (i32, i32) {
    %c0_i32 = arith.constant 0 : i32
    %c0_i32_0 = arith.constant 0 : i32
    %c0_i32_1 = arith.constant 0 : i32
    return %c0_i32, %c0_i32_0 : i32, i32
  }
  func.func @transform_5(%arg0: i32) -> (i32, i32) {
    %c0_i32 = arith.constant 0 : i32
    %c0_i32_0 = arith.constant 0 : i32
    %c0_i32_1 = arith.constant 0 : i32
    return %c0_i32, %c0_i32_0 : i32, i32
  }
  func.func @transform_6(%arg0: i32) -> (i32, i32) {
    %c0_i32 = arith.constant 0 : i32
    %c0_i32_0 = arith.constant 0 : i32
    %c0_i32_1 = arith.constant 0 : i32
    return %c0_i32, %c0_i32_0 : i32, i32
  }
  func.func @transform_7(%arg0: i32) -> (i32, i32) {
    %c0_i32 = arith.constant 0 : i32
    %c0_i32_0 = arith.constant 0 : i32
    %c0_i32_1 = arith.constant 0 : i32
    return %c0_i32, %c0_i32_0 : i32, i32
  }
  func.func @transform_8(%arg0: i32) -> (i32, i32) {
    %c0_i32 = arith.constant 0 : i32
    %c0_i32_0 = arith.constant 0 : i32
    %c0_i32_1 = arith.constant 0 : i32
    return %c0_i32, %c0_i32_0 : i32, i32
  }
  func.func @transform_9(%arg0: i32) -> (i32, i32) {
    %c0_i32 = arith.constant 0 : i32
    %c0_i32_0 = arith.constant 0 : i32
    %c0_i32_1 = arith.constant 0 : i32
    return %c0_i32, %c0_i32_0 : i32, i32
  }
  func.func @transform_10(%arg0: i32) -> (i32, i32) {
    %c0_i32 = arith.constant 0 : i32
    %c0_i32_0 = arith.constant 0 : i32
    %c0_i32_1 = arith.constant 0 : i32
    return %c0_i32, %c0_i32_0 : i32, i32
  }
  func.func @transform_11(%arg0: i32) -> (i32, i32) {
    %c0_i32 = arith.constant 0 : i32
    %c0_i32_0 = arith.constant 0 : i32
    %c0_i32_1 = arith.constant 0 : i32
    return %c0_i32, %c0_i32_0 : i32, i32
  }
  func.func @transform_12(%arg0: i32) -> (i32, i32) {
    %c0_i32 = arith.constant 0 : i32
    %c0_i32_0 = arith.constant 0 : i32
    %c0_i32_1 = arith.constant 0 : i32
    return %c0_i32, %c0_i32_0 : i32, i32
  }
  func.func @transform_13(%arg0: i32) -> (i32, i32) {
    %c0_i32 = arith.constant 0 : i32
    %c0_i32_0 = arith.constant 0 : i32
    %c0_i32_1 = arith.constant 0 : i32
    return %c0_i32, %c0_i32_0 : i32, i32
  }
  func.func @transform_14(%arg0: i32) -> (i32, i32) {
    %c0_i32 = arith.constant 0 : i32
    %c0_i32_0 = arith.constant 0 : i32
    %c0_i32_1 = arith.constant 0 : i32
    return %c0_i32, %c0_i32_0 : i32, i32
  }
  func.func @transform_15(%arg0: i32) -> (i32, i32) {
    %c0_i32 = arith.constant 0 : i32
    %c0_i32_0 = arith.constant 0 : i32
    %c0_i32_1 = arith.constant 0 : i32
    return %c0_i32, %c0_i32_0 : i32, i32
  }
  func.func @transform_16(%arg0: i32) -> (i32, i32) {
    %c0_i32 = arith.constant 0 : i32
    %c0_i32_0 = arith.constant 0 : i32
    %c0_i32_1 = arith.constant 0 : i32
    return %c0_i32, %c0_i32_0 : i32, i32
  }
  func.func @transform_17(%arg0: i32) -> (i32, i32) {
    %c0_i32 = arith.constant 0 : i32
    %c0_i32_0 = arith.constant 0 : i32
    %c0_i32_1 = arith.constant 0 : i32
    return %c0_i32, %c0_i32_0 : i32, i32
  }
  func.func @transform_18(%arg0: i32) -> (i32, i32) {
    %c0_i32 = arith.constant 0 : i32
    %c0_i32_0 = arith.constant 0 : i32
    return %arg0, %c0_i32 : i32, i32
  }
}

module attributes {stable_mosaic.version = 14 : i64} {
  func.func @_tc_body(%arg0: i32, %arg1: memref<16000x128xf32, #tpu.memory_space<vmem>>, %arg2: memref<1000x128xf32, #tpu.memory_space<vmem>>, %arg3: memref<128x128xf32, #tpu.memory_space<vmem>>, %arg4: memref<8x128xf32, #tpu.memory_space<vmem>>, %arg5: memref<128x128xf32, #tpu.memory_space<vmem>>, %arg6: memref<1x128xf32, #tpu.memory_space<vmem>>, %arg7: memref<1x128xf32, #tpu.memory_space<vmem>>, %arg8: memref<1x128xf32, #tpu.memory_space<vmem>>, %arg9: memref<1x128xf32, #tpu.memory_space<vmem>>, %arg10: memref<1x128xf32, #tpu.memory_space<vmem>>, %arg11: memref<128x8xf32, #tpu.memory_space<vmem>>, %arg12: memref<1x8xf32, #tpu.memory_space<vmem>>, %arg13: memref<1x8xf32, #tpu.memory_space<vmem>>, %arg14: memref<128x8xf32, #tpu.memory_space<vmem>>, %arg15: memref<1x8xf32, #tpu.memory_space<vmem>>, %arg16: memref<1x8xf32, #tpu.memory_space<vmem>>, %arg17: memref<8x8xf32, #tpu.memory_space<vmem>>, %arg18: memref<8x128xf32, #tpu.memory_space<vmem>>, %arg19: memref<1000x64xf32, #tpu.memory_space<vmem>>) attributes {dimension_semantics = [#tpu.dimension_semantics<arbitrary>], iteration_bounds = array<i64: 25>, scalar_prefetch = 0 : i64, scratch_operands = 0 : i64, tpu.core_type = #tpu.core_type<tc>, window_params = [{transform_indices = @transform_0, window_bounds = array<i64: 16000, 128>}, {transform_indices = @transform_1, window_bounds = array<i64: 1000, 128>}, {pipeline_mode = #tpu.pipeline_mode<synchronous>, transform_indices = @transform_2, window_bounds = array<i64: 128, 128>}, {pipeline_mode = #tpu.pipeline_mode<synchronous>, transform_indices = @transform_3, window_bounds = array<i64: 8, 128>}, {pipeline_mode = #tpu.pipeline_mode<synchronous>, transform_indices = @transform_4, window_bounds = array<i64: 128, 128>}, {pipeline_mode = #tpu.pipeline_mode<synchronous>, transform_indices = @transform_5, window_bounds = array<i64: 1, 128>}, {pipeline_mode = #tpu.pipeline_mode<synchronous>, transform_indices = @transform_6, window_bounds = array<i64: 1, 128>}, {pipeline_mode = #tpu.pipeline_mode<synchronous>, transform_indices = @transform_7, window_bounds = array<i64: 1, 128>}, {pipeline_mode = #tpu.pipeline_mode<synchronous>, transform_indices = @transform_8, window_bounds = array<i64: 1, 128>}, {pipeline_mode = #tpu.pipeline_mode<synchronous>, transform_indices = @transform_9, window_bounds = array<i64: 1, 128>}, {pipeline_mode = #tpu.pipeline_mode<synchronous>, transform_indices = @transform_10, window_bounds = array<i64: 128, 8>}, {pipeline_mode = #tpu.pipeline_mode<synchronous>, transform_indices = @transform_11, window_bounds = array<i64: 1, 8>}, {pipeline_mode = #tpu.pipeline_mode<synchronous>, transform_indices = @transform_12, window_bounds = array<i64: 1, 8>}, {pipeline_mode = #tpu.pipeline_mode<synchronous>, transform_indices = @transform_13, window_bounds = array<i64: 128, 8>}, {pipeline_mode = #tpu.pipeline_mode<synchronous>, transform_indices = @transform_14, window_bounds = array<i64: 1, 8>}, {pipeline_mode = #tpu.pipeline_mode<synchronous>, transform_indices = @transform_15, window_bounds = array<i64: 1, 8>}, {pipeline_mode = #tpu.pipeline_mode<synchronous>, transform_indices = @transform_16, window_bounds = array<i64: 8, 8>}, {pipeline_mode = #tpu.pipeline_mode<synchronous>, transform_indices = @transform_17, window_bounds = array<i64: 8, 128>}, {transform_indices = @transform_18, window_bounds = array<i64: 1000, 64>}]} {
    %get3A = arith.constant 0 : index
    %get3A_0 = arith.constant 0 : index
    %get3A_1 = vector.load %arg1[%get3A, %get3A_0] : memref<16000x128xf32, #tpu.memory_space<vmem>>, vector<16000x128xf32>
    %get3A_2 = arith.constant 0 : index
    %get3A_3 = arith.constant 0 : index
    %get3A_4 = vector.load %arg2[%get3A_2, %get3A_3] : memref<1000x128xf32, #tpu.memory_space<vmem>>, vector<1000x128xf32>
    %get3A_5 = arith.constant 0 : index
    %get3A_6 = arith.constant 0 : index
    %get3A_7 = vector.load %arg5[%get3A_5, %get3A_6] : memref<128x128xf32, #tpu.memory_space<vmem>>, vector<128x128xf32>
    %dot_general3A = arith.constant dense<0.000000e+00> : vector<1000x128xf32>
    %dot_general3A_8 = tpu.matmul %get3A_4, %get3A_7, %dot_general3A {dimension_numbers = #tpu.dot_dimension_numbers<[1], [0], [0], [1], [0, 0, 1, 1], [], []>, transpose_lhs_hint = false} : vector<1000x128xf32>, vector<128x128xf32>, vector<1000x128xf32> -> vector<1000x128xf32>
    %get3A_9 = arith.constant 0 : index
    %get3A_10 = arith.constant 0 : index
    %get3A_11 = vector.load %arg6[%get3A_9, %get3A_10] : memref<1x128xf32, #tpu.memory_space<vmem>>, vector<1x128xf32>
    %add3A = vector.broadcast %get3A_11 : vector<1x128xf32> to vector<1000x128xf32>
    %add3A_12 = arith.addf %dot_general3A_8, %add3A : vector<1000x128xf32>
    %get3A_13 = arith.constant 0 : index
    %get3A_14 = arith.constant 0 : index
    %get3A_15 = vector.load %arg11[%get3A_13, %get3A_14] : memref<128x8xf32, #tpu.memory_space<vmem>>, vector<128x8xf32>
    %dot_general3A_16 = arith.constant dense<0.000000e+00> : vector<16000x8xf32>
    %dot_general3A_17 = tpu.matmul %get3A_1, %get3A_15, %dot_general3A_16 {dimension_numbers = #tpu.dot_dimension_numbers<[1], [0], [0], [1], [0, 0, 1, 1], [], []>, transpose_lhs_hint = false} : vector<16000x128xf32>, vector<128x8xf32>, vector<16000x8xf32> -> vector<16000x8xf32>
    %get3A_18 = arith.constant 0 : index
    %get3A_19 = arith.constant 0 : index
    %get3A_20 = vector.load %arg11[%get3A_18, %get3A_19] : memref<128x8xf32, #tpu.memory_space<vmem>>, vector<128x8xf32>
    %dot_general3A_21 = arith.constant dense<0.000000e+00> : vector<1000x8xf32>
    %dot_general3A_22 = tpu.matmul %get3A_4, %get3A_20, %dot_general3A_21 {dimension_numbers = #tpu.dot_dimension_numbers<[1], [0], [0], [1], [0, 0, 1, 1], [], []>, transpose_lhs_hint = false} : vector<1000x128xf32>, vector<128x8xf32>, vector<1000x8xf32> -> vector<1000x8xf32>
    %reshape3A = vector.shape_cast %dot_general3A_17 : vector<16000x8xf32> to vector<1000x16x8xf32>
    %reshape3A_23 = vector.shape_cast %dot_general3A_22 : vector<1000x8xf32> to vector<1000x1x8xf32>
    %sub3A = vector.broadcast %reshape3A_23 : vector<1000x1x8xf32> to vector<1000x16x8xf32>
    %sub3A_24 = arith.subf %reshape3A, %sub3A : vector<1000x16x8xf32>
    %reshape3A_25 = vector.shape_cast %sub3A_24 : vector<1000x16x8xf32> to vector<16000x8xf32>
    %get3A_26 = arith.constant 0 : index
    %get3A_27 = arith.constant 0 : index
    %get3A_28 = vector.load %arg12[%get3A_26, %get3A_27] : memref<1x8xf32, #tpu.memory_space<vmem>>, vector<1x8xf32>
    %mul3A = vector.broadcast %get3A_28 : vector<1x8xf32> to vector<16000x8xf32>
    %mul3A_29 = arith.mulf %reshape3A_25, %mul3A : vector<16000x8xf32>
    %get3A_30 = arith.constant 0 : index
    %get3A_31 = arith.constant 0 : index
    %get3A_32 = vector.load %arg13[%get3A_30, %get3A_31] : memref<1x8xf32, #tpu.memory_space<vmem>>, vector<1x8xf32>
    %add3A_33 = vector.broadcast %get3A_32 : vector<1x8xf32> to vector<16000x8xf32>
    %add3A_34 = arith.addf %mul3A_29, %add3A_33 : vector<16000x8xf32>
    %max3A = arith.constant 0.000000e+00 : f32
    %max3A_35 = vector.broadcast %max3A : f32 to vector<16000x8xf32>
    %max3A_36 = arith.maximumf %add3A_34, %max3A_35 : vector<16000x8xf32>
    %get3A_37 = arith.constant 0 : index
    %get3A_38 = arith.constant 0 : index
    %get3A_39 = vector.load %arg4[%get3A_37, %get3A_38] : memref<8x128xf32, #tpu.memory_space<vmem>>, vector<8x128xf32>
    %dot_general3A_40 = arith.constant dense<0.000000e+00> : vector<16000x128xf32>
    %dot_general3A_41 = tpu.matmul %max3A_36, %get3A_39, %dot_general3A_40 {dimension_numbers = #tpu.dot_dimension_numbers<[1], [0], [0], [1], [0, 0, 1, 1], [], []>, transpose_lhs_hint = false} : vector<16000x8xf32>, vector<8x128xf32>, vector<16000x128xf32> -> vector<16000x128xf32>
    %get3A_42 = arith.constant 0 : index
    %get3A_43 = arith.constant 0 : index
    %get3A_44 = vector.load %arg3[%get3A_42, %get3A_43] : memref<128x128xf32, #tpu.memory_space<vmem>>, vector<128x128xf32>
    %dot_general3A_45 = arith.constant dense<0.000000e+00> : vector<16000x128xf32>
    %dot_general3A_46 = tpu.matmul %get3A_1, %get3A_44, %dot_general3A_45 {dimension_numbers = #tpu.dot_dimension_numbers<[1], [0], [0], [1], [0, 0, 1, 1], [], []>, transpose_lhs_hint = false} : vector<16000x128xf32>, vector<128x128xf32>, vector<16000x128xf32> -> vector<16000x128xf32>
    %add3A_47 = arith.addf %dot_general3A_46, %dot_general3A_41 : vector<16000x128xf32>
    %reshape3A_48 = vector.shape_cast %add3A_47 : vector<16000x128xf32> to vector<1000x16x128xf32>
    %reshape3A_49 = vector.shape_cast %add3A_12 : vector<1000x128xf32> to vector<1000x1x128xf32>
    %sub3A_50 = vector.broadcast %reshape3A_49 : vector<1000x1x128xf32> to vector<1000x16x128xf32>
    %sub3A_51 = arith.subf %reshape3A_48, %sub3A_50 : vector<1000x16x128xf32>
    %reshape3A_52 = vector.shape_cast %sub3A_51 : vector<1000x16x128xf32> to vector<16000x128xf32>
    %get3A_53 = arith.constant 0 : index
    %get3A_54 = arith.constant 0 : index
    %get3A_55 = vector.load %arg7[%get3A_53, %get3A_54] : memref<1x128xf32, #tpu.memory_space<vmem>>, vector<1x128xf32>
    %add3A_56 = vector.broadcast %get3A_55 : vector<1x128xf32> to vector<16000x128xf32>
    %add3A_57 = arith.addf %reshape3A_52, %add3A_56 : vector<16000x128xf32>
    %get3A_58 = arith.constant 0 : index
    %get3A_59 = arith.constant 0 : index
    %get3A_60 = vector.load %arg8[%get3A_58, %get3A_59] : memref<1x128xf32, #tpu.memory_space<vmem>>, vector<1x128xf32>
    %max3A_61 = vector.broadcast %get3A_60 : vector<1x128xf32> to vector<16000x128xf32>
    %max3A_62 = arith.maximumf %add3A_57, %max3A_61 : vector<16000x128xf32>
    %get3A_63 = arith.constant 0 : index
    %get3A_64 = arith.constant 0 : index
    %get3A_65 = vector.load %arg14[%get3A_63, %get3A_64] : memref<128x8xf32, #tpu.memory_space<vmem>>, vector<128x8xf32>
    %dot_general3A_66 = arith.constant dense<0.000000e+00> : vector<16000x8xf32>
    %dot_general3A_67 = tpu.matmul %max3A_62, %get3A_65, %dot_general3A_66 {dimension_numbers = #tpu.dot_dimension_numbers<[1], [0], [0], [1], [0, 0, 1, 1], [], []>, transpose_lhs_hint = false} : vector<16000x128xf32>, vector<128x8xf32>, vector<16000x8xf32> -> vector<16000x8xf32>
    %get3A_68 = arith.constant 0 : index
    %get3A_69 = arith.constant 0 : index
    %get3A_70 = vector.load %arg15[%get3A_68, %get3A_69] : memref<1x8xf32, #tpu.memory_space<vmem>>, vector<1x8xf32>
    %mul3A_71 = vector.broadcast %get3A_70 : vector<1x8xf32> to vector<16000x8xf32>
    %mul3A_72 = arith.mulf %dot_general3A_67, %mul3A_71 : vector<16000x8xf32>
    %get3A_73 = arith.constant 0 : index
    %get3A_74 = arith.constant 0 : index
    %get3A_75 = vector.load %arg16[%get3A_73, %get3A_74] : memref<1x8xf32, #tpu.memory_space<vmem>>, vector<1x8xf32>
    %add3A_76 = vector.broadcast %get3A_75 : vector<1x8xf32> to vector<16000x8xf32>
    %add3A_77 = arith.addf %mul3A_72, %add3A_76 : vector<16000x8xf32>
    %max3A_78 = arith.constant 0.000000e+00 : f32
    %max3A_79 = vector.broadcast %max3A_78 : f32 to vector<16000x8xf32>
    %max3A_80 = arith.maximumf %add3A_77, %max3A_79 : vector<16000x8xf32>
    %get3A_81 = arith.constant 0 : index
    %get3A_82 = arith.constant 0 : index
    %get3A_83 = vector.load %arg17[%get3A_81, %get3A_82] : memref<8x8xf32, #tpu.memory_space<vmem>>, vector<8x8xf32>
    %dot_general3A_84 = arith.constant dense<0.000000e+00> : vector<16000x8xf32>
    %dot_general3A_85 = tpu.matmul %max3A_80, %get3A_83, %dot_general3A_84 {dimension_numbers = #tpu.dot_dimension_numbers<[1], [0], [0], [1], [0, 0, 1, 1], [], []>, transpose_lhs_hint = false} : vector<16000x8xf32>, vector<8x8xf32>, vector<16000x8xf32> -> vector<16000x8xf32>
    %exp3A = math.exp %dot_general3A_85 : vector<16000x8xf32>
    %get3A_86 = arith.constant 0 : index
    %get3A_87 = arith.constant 0 : index
    %get3A_88 = vector.load %arg18[%get3A_86, %get3A_87] : memref<8x128xf32, #tpu.memory_space<vmem>>, vector<8x128xf32>
    %dot_general3A_89 = arith.constant dense<0.000000e+00> : vector<16000x128xf32>
    %dot_general3A_90 = tpu.matmul %exp3A, %get3A_88, %dot_general3A_89 {dimension_numbers = #tpu.dot_dimension_numbers<[1], [0], [0], [1], [0, 0, 1, 1], [], []>, transpose_lhs_hint = false} : vector<16000x8xf32>, vector<8x128xf32>, vector<16000x128xf32> -> vector<16000x128xf32>
    %get3A_91 = arith.constant 0 : index
    %get3A_92 = arith.constant 0 : index
    %get3A_93 = vector.load %arg9[%get3A_91, %get3A_92] : memref<1x128xf32, #tpu.memory_space<vmem>>, vector<1x128xf32>
    %mul3A_94 = vector.broadcast %get3A_93 : vector<1x128xf32> to vector<16000x128xf32>
    %mul3A_95 = arith.mulf %max3A_62, %mul3A_94 : vector<16000x128xf32>
    %get3A_96 = arith.constant 0 : index
    %get3A_97 = arith.constant 0 : index
    %get3A_98 = vector.load %arg10[%get3A_96, %get3A_97] : memref<1x128xf32, #tpu.memory_space<vmem>>, vector<1x128xf32>
    %add3A_99 = vector.broadcast %get3A_98 : vector<1x128xf32> to vector<16000x128xf32>
    %add3A_100 = arith.addf %mul3A_95, %add3A_99 : vector<16000x128xf32>
    %mul3A_101 = arith.mulf %add3A_100, %dot_general3A_90 : vector<16000x128xf32>
    %reshape3A_102 = vector.shape_cast %mul3A_101 : vector<16000x128xf32> to vector<1000x16x128xf32>
    %reduce_sum3A = arith.constant dense<0.000000e+00> : vector<1000x128xf32>
    %reduce_sum3A_103 = vector.multi_reduction <add>, %reshape3A_102, %reduce_sum3A [1] : vector<1000x16x128xf32> to vector<1000x128xf32>
    %slice3A = vector.extract_strided_slice %reduce_sum3A_103 {offsets = [0, 64], sizes = [1000, 64], strides = [1, 1]} : vector<1000x128xf32> to vector<1000x64xf32>
    %slice3A_104 = vector.extract_strided_slice %reduce_sum3A_103 {offsets = [0, 0], sizes = [1000, 64], strides = [1, 1]} : vector<1000x128xf32> to vector<1000x64xf32>
    %div3A = arith.divf %slice3A, %slice3A_104 : vector<1000x64xf32>
    %swap3A = arith.constant 0 : index
    %swap3A_105 = arith.constant 0 : index
    %swap3A_106 = vector.load %arg19[%swap3A, %swap3A_105] : memref<1000x64xf32, #tpu.memory_space<vmem>>, vector<1000x64xf32>
    tpu.vector_store %arg19[%swap3A, %swap3A_105], %div3A {strides = array<i32>} : memref<1000x64xf32, #tpu.memory_space<vmem>>, vector<1000x64xf32>,
    return
  }
  func.func @transform_0(%arg0: i32) -> (i32, i32) {
    %c0_i32 = arith.constant 0 : i32
    %c0_i32_0 = arith.constant 0 : i32
    return %arg0, %c0_i32 : i32, i32
  }
  func.func @transform_1(%arg0: i32) -> (i32, i32) {
    %add3A = arith.constant 25 : i32
    %add3A_0 = arith.addi %arg0, %add3A : i32
    %c0_i32 = arith.constant 0 : i32
    %c0_i32_1 = arith.constant 0 : i32
    return %add3A_0, %c0_i32 : i32, i32
  }
  func.func @transform_2(%arg0: i32) -> (i32, i32) {
    %c0_i32 = arith.constant 0 : i32
    %c0_i32_0 = arith.constant 0 : i32
    %c0_i32_1 = arith.constant 0 : i32
    return %c0_i32, %c0_i32_0 : i32, i32
  }
  func.func @transform_3(%arg0: i32) -> (i32, i32) {
    %c0_i32 = arith.constant 0 : i32
    %c0_i32_0 = arith.constant 0 : i32
    %c0_i32_1 = arith.constant 0 : i32
    return %c0_i32, %c0_i32_0 : i32, i32
  }
  func.func @transform_4(%arg0: i32) -> (i32, i32) {
    %c0_i32 = arith.constant 0 : i32
    %c0_i32_0 = arith.constant 0 : i32
    %c0_i32_1 = arith.constant 0 : i32
    return %c0_i32, %c0_i32_0 : i32, i32
  }
  func.func @transform_5(%arg0: i32) -> (i32, i32) {
    %c0_i32 = arith.constant 0 : i32
    %c0_i32_0 = arith.constant 0 : i32
    %c0_i32_1 = arith.constant 0 : i32
    return %c0_i32, %c0_i32_0 : i32, i32
  }
  func.func @transform_6(%arg0: i32) -> (i32, i32) {
    %c0_i32 = arith.constant 0 : i32
    %c0_i32_0 = arith.constant 0 : i32
    %c0_i32_1 = arith.constant 0 : i32
    return %c0_i32, %c0_i32_0 : i32, i32
  }
  func.func @transform_7(%arg0: i32) -> (i32, i32) {
    %c0_i32 = arith.constant 0 : i32
    %c0_i32_0 = arith.constant 0 : i32
    %c0_i32_1 = arith.constant 0 : i32
    return %c0_i32, %c0_i32_0 : i32, i32
  }
  func.func @transform_8(%arg0: i32) -> (i32, i32) {
    %c0_i32 = arith.constant 0 : i32
    %c0_i32_0 = arith.constant 0 : i32
    %c0_i32_1 = arith.constant 0 : i32
    return %c0_i32, %c0_i32_0 : i32, i32
  }
  func.func @transform_9(%arg0: i32) -> (i32, i32) {
    %c0_i32 = arith.constant 0 : i32
    %c0_i32_0 = arith.constant 0 : i32
    %c0_i32_1 = arith.constant 0 : i32
    return %c0_i32, %c0_i32_0 : i32, i32
  }
  func.func @transform_10(%arg0: i32) -> (i32, i32) {
    %c0_i32 = arith.constant 0 : i32
    %c0_i32_0 = arith.constant 0 : i32
    %c0_i32_1 = arith.constant 0 : i32
    return %c0_i32, %c0_i32_0 : i32, i32
  }
  func.func @transform_11(%arg0: i32) -> (i32, i32) {
    %c0_i32 = arith.constant 0 : i32
    %c0_i32_0 = arith.constant 0 : i32
    %c0_i32_1 = arith.constant 0 : i32
    return %c0_i32, %c0_i32_0 : i32, i32
  }
  func.func @transform_12(%arg0: i32) -> (i32, i32) {
    %c0_i32 = arith.constant 0 : i32
    %c0_i32_0 = arith.constant 0 : i32
    %c0_i32_1 = arith.constant 0 : i32
    return %c0_i32, %c0_i32_0 : i32, i32
  }
  func.func @transform_13(%arg0: i32) -> (i32, i32) {
    %c0_i32 = arith.constant 0 : i32
    %c0_i32_0 = arith.constant 0 : i32
    %c0_i32_1 = arith.constant 0 : i32
    return %c0_i32, %c0_i32_0 : i32, i32
  }
  func.func @transform_14(%arg0: i32) -> (i32, i32) {
    %c0_i32 = arith.constant 0 : i32
    %c0_i32_0 = arith.constant 0 : i32
    %c0_i32_1 = arith.constant 0 : i32
    return %c0_i32, %c0_i32_0 : i32, i32
  }
  func.func @transform_15(%arg0: i32) -> (i32, i32) {
    %c0_i32 = arith.constant 0 : i32
    %c0_i32_0 = arith.constant 0 : i32
    %c0_i32_1 = arith.constant 0 : i32
    return %c0_i32, %c0_i32_0 : i32, i32
  }
  func.func @transform_16(%arg0: i32) -> (i32, i32) {
    %c0_i32 = arith.constant 0 : i32
    %c0_i32_0 = arith.constant 0 : i32
    %c0_i32_1 = arith.constant 0 : i32
    return %c0_i32, %c0_i32_0 : i32, i32
  }
  func.func @transform_17(%arg0: i32) -> (i32, i32) {
    %c0_i32 = arith.constant 0 : i32
    %c0_i32_0 = arith.constant 0 : i32
    %c0_i32_1 = arith.constant 0 : i32
    return %c0_i32, %c0_i32_0 : i32, i32
  }
  func.func @transform_18(%arg0: i32) -> (i32, i32) {
    %c0_i32 = arith.constant 0 : i32
    %c0_i32_0 = arith.constant 0 : i32
    return %arg0, %c0_i32 : i32, i32
  }
}

</mosaic_0001>

<sc_bundles>
// kernel: kernel.6.cloned.1.call-start
scs
__scs_entry_jumppad:
0x0: {  	(pc) =	sbr.rel $0x88, $3  }
0x1: {  	(tag) =	ssettag $0x0;
	lr =	simm.s32 $0x1  }
0x2: {  	[smem:$0x3F85] =	sst lr;
	_ =	strace $0xD0000000  }
0x3: {  	_ = 	snop  }
0x4: {  	_ = 	snop  }
0x5: {  	_ = 	snop  }
0x6: {  	_ = 	snop  }
0x7: {  	_ = 	snop  }
__scs_overlays_trampoline_lowered:
0x8: {  	[smem:$0x3F94] =	sst s0  }
0x9: {  	[smem:$0x3F95] =	sst s1  }
0xa: {  	[smem:$0x3F96] =	sst s2  }
0xb: {  	[smem:$0x3F97] =	sst s3  }
0xc: {  	[smem:$0x3F98] =	sst s4  }
0xd: {  	[smem:$0x3F99] =	sst s5  }
0xe: {  	[smem:$0x3F9A] =	sst s6  }
0xf: {  	[smem:$0x3F9B] =	sst s7  }
0x10: {  	[smem:$0x3F9C] =	sst s8  }
0x11: {  	[smem:$0x3F9D] =	sst s9;
	s0 =	simm.s32 @!p0 $0x0  }
0x12: {  	s1 =	sld [smem:$0x3F83];
	s0 =	simm.s32 @p0 $0x1  }
0x13: {  	[smem:$0x3F9E] =	sst s0;
	s0 =	simm.s32 @!p1 $0x0  }
0x14: {  	s2 =	sld [smem:$0x3F82];
	s0 =	simm.s32 @p1 $0x1  }
0x15: {  	[smem:$0x3F9F] =	sst s0;
	s0 =	simm.s32 @!p2 $0x0  }
0x16: {  	s3 =	sld [smem:$0x3FDB];
	s0 =	simm.s32 @p2 $0x1  }
0x17: {  	s4 =	simm.s32 $0x1BF5;
	[smem:$0x3FA1] =	sst s0  }
0x18: {  	s0 =	sld [smem:$0x3F84];
	_ =	swait.ge [sflag:s4], $0x0  }
0x19: {  	s7 =	sld [smem:$0x3F85]  }
0x1a: {  	s8 =	sadd.s32 $0xFFFFE003, lr  }
0x1b: {  	s9 =	sadd.s32 $0xFFFFFEF7, lr;
	s5 =	simm.s32 $0xFFFFFFFF;
	p2 =	slt.u32 s8, $0xFFFFF086  }
0x1c: {  	p1 =	slt.u32 s9, $0xF7A;
	s5 =	simm.s32 @!p2 $0x0  }
0x1d: {  	s5 =	simm.s32 @p1 $0x1;
	p0 =	seq.s32 s7, s2  }
0x1e: {  	s7 =	smul.u32 @!p0 $0xF7A, s2;
	p2 =	seq.s32 @!p0 s5, $0x0  }
0x1f: {  	s9 =	smul.u32 $0xF7A, s1;
	s8 =	simm.s32 @!p0 $0x1BF5;
	p2 =	por !p2, p0  }
0x20: {  	[sflag:s8] =	ssyncset.s32 @!p0 $0xFFFFF086;
	s6 =	sadd.s32 @!p0 s3, s7;
	s7 =	simm.s32 @!p0 $0x108  }
0x21: {  	s3 =	sadd.s32 s3, s9;
	s6 =	sadd.s32 @!p0 $0x88, s6;
	s7 =	simm.s32 @p2 $0x1082  }
0x22: {  	[simem:s7], [sflag:s8] =	dma.local @!p0 [hbm:s6], $0xF7A  }
0x23: {  	s9 =	sor.u32 $0xD0000000, s2;
	s6 =	simm.s32 $0x108;
	_ =	swait.ge @!p0 [sflag:s8], $0x0  }
0x24: {  	s3 =	sadd.s32 $0x88, s3;
	s6 =	simm.s32 @!p1 $0x1082;
	[sflag:s4] =	ssyncset.s32 $0xFFFFF086  }
0x25: {  	[simem:s6], [sflag:s4] =	dma.local [hbm:s3], $0xF7A  }
0x26: {  	[smem:$0x3F85] =	sst s1;
	(tag) =	ssettag s2;
	_ =	strace s9  }
0x27: {  	s1 =	sld [smem:$0x3F95]  }
0x28: {  	s2 =	sld [smem:$0x3F96]  }
0x29: {  	s4 =	sld [smem:$0x3F98]  }
0x2a: {  	p0 =	seq.s32 s5, $0x0;
	s5 =	sld [smem:$0x3F99]  }
0x2b: {  	s6 =	sld [smem:$0x3F9A]  }
0x2c: {  	s7 =	sld [smem:$0x3F9B]  }
0x2d: {  	s3 =	simm.s32 $0x108;
	s8 =	sld [smem:$0x3F9C]  }
0x2e: {  	s3 =	simm.s32 @!p0 $0x1082;
	s9 =	sld [smem:$0x3F9D]  }
0x2f: {  	lr =	sadd.s32 s0, s3;
	s0 =	sld [smem:$0x3F94]  }
0x30: {  	s3 =	sld [smem:$0x3F97]  }
0x31: {  	[smem:$0x3FA0] =	sst s10  }
0x32: {  	s10 =	sld [smem:$0x3F9E];
	_ =	sdelay $0x3  }
0x33: {  	p0 =	seq.s32 s10, $0x1;
	s10 =	sld [smem:$0x3FA0];
	_ =	sdelay $0x3  }
0x34: {  	[smem:$0x3FA0] =	sst s10  }
0x35: {  	s10 =	sld [smem:$0x3F9F];
	_ =	sdelay $0x3  }
0x36: {  	p1 =	seq.s32 s10, $0x1;
	s10 =	sld [smem:$0x3FA0];
	_ =	sdelay $0x3  }
0x37: {  	[smem:$0x3FA0] =	sst s10  }
0x38: {  	s10 =	sld [smem:$0x3FA1]  }
0x39: {  	_ = 	snop;
	(pc) =	sbr.ind lr, $3  }
0x3a: {  	_ = 	snop  }
0x3b: {  	_ = 	snop  }
0x3c: {  	p2 =	seq.s32 s10, $0x1;
	s10 =	sld [smem:$0x3FA0]  }
0x3d: {  	_ =	shalt  }
0x3e: {  	_ =	shalt  }
0x3f: {  	_ =	shalt  }
0x40: {  	_ =	shalt  }
0x41: {  	_ =	shalt  }
0x42: {  	_ =	shalt  }
0x43: {  	_ =	shalt  }
0x44: {  	_ =	shalt  }
0x45: {  	_ =	shalt  }
0x46: {  	_ =	shalt  }
0x47: {  	_ =	shalt  }
0x48: {  	_ =	shalt  }
0x49: {  	_ =	shalt  }
0x4a: {  	_ =	shalt  }
0x4b: {  	_ =	shalt  }
0x4c: {  	_ =	shalt  }
0x4d: {  	_ =	shalt  }
0x4e: {  	_ =	shalt  }
0x4f: {  	_ =	shalt  }
0x50: {  	_ =	shalt  }
0x51: {  	_ =	shalt  }
0x52: {  	_ =	shalt  }
0x53: {  	_ =	shalt  }
0x54: {  	_ =	shalt  }
0x55: {  	_ =	shalt  }
0x56: {  	_ =	shalt  }
0x57: {  	_ =	shalt  }
0x58: {  	_ =	shalt  }
0x59: {  	_ =	shalt  }
0x5a: {  	_ =	shalt  }
0x5b: {  	_ =	shalt  }
0x5c: {  	_ =	shalt  }
0x5d: {  	_ =	shalt  }
0x5e: {  	_ =	shalt  }
0x5f: {  	_ =	shalt  }
0x60: {  	_ =	shalt  }
0x61: {  	_ =	shalt  }
0x62: {  	_ =	shalt  }
0x63: {  	_ =	shalt  }
0x64: {  	_ =	shalt  }
0x65: {  	_ =	shalt  }
0x66: {  	_ =	shalt  }
0x67: {  	_ =	shalt  }
0x68: {  	_ =	shalt  }
0x69: {  	_ =	shalt  }
0x6a: {  	_ =	shalt  }
0x6b: {  	_ =	shalt  }
0x6c: {  	_ =	shalt  }
0x6d: {  	_ =	shalt  }
0x6e: {  	_ =	shalt  }
0x6f: {  	_ =	shalt  }
0x70: {  	_ =	shalt  }
0x71: {  	_ =	shalt  }
0x72: {  	_ =	shalt  }
0x73: {  	_ =	shalt  }
0x74: {  	_ =	shalt  }
0x75: {  	_ =	shalt  }
0x76: {  	_ =	shalt  }
0x77: {  	_ =	shalt  }
0x78: {  	_ =	shalt  }
0x79: {  	_ =	shalt  }
0x7a: {  	_ =	shalt  }
0x7b: {  	_ =	shalt  }
0x7c: {  	_ =	shalt  }
0x7d: {  	_ =	shalt  }
0x7e: {  	_ =	shalt  }
0x7f: {  	_ =	shalt  }
0x80: {  	_ =	shalt  }
0x81: {  	_ =	shalt  }
0x82: {  	_ =	shalt  }
0x83: {  	_ =	shalt  }
0x84: {  	_ =	shalt  }
0x85: {  	_ =	shalt  }
0x86: {  	_ =	shalt  }
0x87: {  	_ =	shalt  }
.Lfunc_end0:
.L_simem_size_0:
called_computation_lowered:
.L_overlay_start_0:
0x88: {  	s2 =	sld [smem:$0x3FD9]  }
0x89: {  	s3 =	sld [smem:$0x3FFE];
	_ =	sdelay $0x1  }
0x8a: {  	s1 =	srdreg.scid  }
0x8b: {  	s0 =	sand.u32 $0x1, s1  }
0x8c: {  	s17 =	sshll.u32 s0, $0xA;
	s2 =	sadd.s32 s3, s2  }
0x8d: {  	s2 =	sadd.s32 s2, s17  }
0x8e: {  	[smem:$0x3FAC] =	sst s2  }
0x8f: {  	_ = 	snop  }
0x90: {  	s2 =	sld [smem:$0x3FD0];
	(tm) =	ssettm $0x1  }
0x91: {  	s18 =	sld [smem:$0x3FFB];
	_ =	sdelay $0x3  }
0x92: {  	_ =	strace s18  }
0x93: {  	s3 =	sld [smem:$0x3FFC];
	_ =	sdelay $0x3  }
0x94: {  	_ =	strace s3  }
0x95: {  	s3 =	sld [smem:$0x3FFD];
	_ =	sdelay $0x3  }
0x96: {  	_ =	strace s3  }
0x97: {  	_ =	strace $0x8FFFFFFF  }
0x98: {  	s19 =	sld [smem:$0x3FDB];
	_ =	sdelay $0x1  }
0x99: {  	s4 =	simm.s32 $_scs_section_size  }
0x9a: {  	s5 =	simm.s32 $_size__tile_overlayer_lowered;
	s6 =	simm.s32 $_tile_overlayer_lowered  }
0x9b: {  	s22 =	simm.s32 $0x1BFF;
	s21 =	sshll.u32 s6, $0x1;
	s3 =	sadd.s32 s4, s19  }
0x9c: {  	s7 =	simm.s32 $0x0;
	s20 =	sshll.u32 s5, $0x1;
	s5 =	sadd.s32 s21, s3  }
0x9d: {  	[timem:s7], [sflag:s22] =	dma.local [hbm:s5], s20  }
0x9e: {  	_ =	swait.ge [sflag:s22], s20  }
0x9f: {  	s4 =	ssub.s32 $0x0, s20;
	[sflag:s22] =	ssyncset.done $0x0  }
0xa0: {  	[sflag:s22] =	ssyncadd.s32 s4;
	_ =	sdelay $0x1  }
0xa1: {  	s23 =	simm.s32 $0x1B8B  }
0xa2: {  	_ =	swait.ge [sflag:s23], $0x1  }
0xa3: {  	[sflag:s23] =	ssyncset.done $0x0  }
0xa4: {  	s25 =	simm.s32 $0x1B8E;
	s24 =	sld [smem:$0x3FFE];
	[sflag:s23] =	ssyncadd.s32 $0xFFFFFFFF  }
0xa5: {  	s26 =	simm.s32 $execute0_lowered;
	[smem:$0x3FD2] =	sst s25  }
0xa6: {  	s5 =	sshll.u32 s26, $0x1;
	_ =	strace $0x80000046;
	[dreg:$0x1] =	wrdreg $0xFFFFFFFF  }
0xa7: {  	s28 =	simm.s32 $_size_execute0_lowered;
	s3 =	sadd.s32 s3, s5;
	[dreg:$0x0] =	wrdreg $0x0  }
0xa8: {  	s5 =	sshll.u32 s28, $0x1;
	[dreg:$0x2] =	wrdreg s3  }
0xa9: {  	[dreg:$0x3] =	wrdreg s5  }
0xaa: {  	[dreg:$0x4] =	wrdreg $0xC0  }
0xab: {  	_ =	task [dreg:s7], $0x5FFFF  }
0xac: {  	[dreg:$0x1] =	wrdreg $0xFFFFFFFF  }
0xad: {  	[dreg:$0x0] =	wrdreg $0x60  }
0xae: {  	[dreg:$0x2] =	wrdreg s24  }
0xaf: {  	[dreg:$0x3] =	wrdreg s2  }
0xb0: {  	[dreg:$0x4] =	wrdreg $0x9  }
0xb1: {  	_ =	task.clear_ibuf [dreg:s7], $0x5FFFF;
	_ =	strace $0x90000046  }
0xb2: {  	s29 =	simm.s32 $0x9;
	_ =	strace $0x80000048  }
0xb3: {  	_ =	swait.ge [sflag:s29], $0x1  }
0xb4: {  	[sflag:s29] =	ssyncadd.s32 $0xFFFFFFFF  }
0xb5: {  	_ =	strace $0x90000048  }
0xb6: {  	_ =	sfence  }
0xb7: {  	s30 =	sld [smem:$0x0];
	_ =	sdelay $0x2  }
0xb8: {  	s31 =	sshll.u32 s1, $0xD;
	s1 =	sshrl.u32 s1, $0x2  }
0xb9: {  	s3 =	sand.u32 $0x4000, s31;
	s1 =	sadd.s32 s1, s30  }
0xba: {  	s0 =	sor.u32 s3, s0;
	s1 =	sshll.u32 s1, $0x11  }
0xbb: {  	s0 =	sor.u32 s1, s0  }
0xbc: {  	s0 =	sadd.s32 $0x8F2B, s0  }
0xbd: {  	[sflag:s0] =	ssyncadd.remote.s32 $0x1  }
0xbe: {  	_ =	sfence.sel $0xFFFF  }
0xbf: {  	[dreg:$0x0] =	wrdreg $0xFFFFFFFF;
	(pc) =	sbr.abs _section_cstart, $3  }
0xc0: {  	[dreg:$0x1] =	wrdreg $0xFFFFFFFF  }
0xc1: {  	_ =	task.clear_ibuf [dreg:s7], $0x2FFFF;
	_ =	strace $0x9FFFFFFF  }
0xc2: {  	(tm) =	ssettm $0x7FFFFFFF  }
0xc3: {  	_ =	shalt  }
tec
execute0_lowered:
.L_overlay_start_1:
0x0: {  	(tag) =	ssettag $0x1  }
0x1: {  	s4 =	rddreg [dreg:$0x0]  }
0x2: {  	s8 =	rddreg [dreg:$0x1]  }
0x3: {  	s0 =	rddreg [dreg:$0x2]  }
0x4: {  	s2 =	simm.s32 $0x0;
	s3 =	srdreg.scid;
	s1 =	stileid.u32  }
0x5: {  	s14 =	simm.s32 $0x4100;
	s15 =	simm.s32 $0x1;
	s16 =	simm.s32 $0x3  }
0x6: {  	s17 =	simm.s32 $0x2;
	s18 =	simm.s32 $0x4;
	s19 =	simm.s32 $0x0  }
0x7: {  	[smem:$0x7FF] =	sst s2;
	s9 =	sand.u32 $0x1, s3;
	s5 =	sshll.u32 s1, $0x1  }
0x8: {  	s3 =	sadd.s32 $0x4400, s4;
	s10 =	sadd.s32 $0xC7A00, s4;
	s12 =	sshll.u32 s1, $0x5  }
0x9: {  	s13 =	sshll.u32 s1, $0xC;
	_ =	strace $0x80000047;
	s5 =	sor.u32 s9, s5  }
0xa: {  	s6 =	ssub.s32 $0x2, s9;
	s31 =	sshll.u32 s9, $0x4;
	s9 =	sshll.u32 s9, $0xB  }
0xb: {  	s30 =	sshll.u32 s5, $0x4;
	s7 =	sshrl.u32 s6, $0x1;
	s11 =	sshll.u32 s5, $0xB  }
0xc: {  	s4 =	sadd.s32 s8, s30;
	s6 =	ssub.s32 s6, s7;
	s11 =	sadd.s32 s11, s10  }
0xd: {  	s8 =	sadd.s32 s12, s8;
	s10 =	sadd.s32 s13, s10;
	s13 =	simm.s32 $0x100  }
0xe: {  	s5 =	sadd.s32 $0x200, s4;
	s6 =	smax.u32 s6, $0x1;
	s7 =	sadd.s32 $0x600000, s11  }
0xf: {  	s12 =	sadd.s32 s31, s8;
	s8 =	sadd.s32 $0x610000, s11;
	s9 =	sadd.s32 s9, s10  }
0x10: {  	s11 =	simm.s32 $0x5;
	s10 =	sadd.s32 $0x600, s12;
	s12 =	simm.s32 $0x80  }
.LBB2_1:
0x11: {  	[tilespmem:s2], [sflag:$0x5] =	stream.linear.gather [hbm4b:s4+s2], $0x80, $0x38;
	[tilespmem:$0x8100] =	vst v63  }
0x12: {  	_ =	swait.ge [sflag:s11], $0x80  }
0x13: {  	[sflag:s11] =	ssyncset.done $0x0  }
0x14: {  	[sflag:s11] =	ssyncadd.s32 $0xFFFFFF80  }
0x15: {  	[tilespmem:s13], [sflag:$0x1] =	stream.indirect.gather [hbm4b:s3+s12], $0x80, s2, s12, $0xb8;
	[tilespmem:$0x8100] =	vst v63  }
0x16: {  	_ = 	snop  }
0x17: {  	[tilespmem:s12], [sflag:$0x5] =	stream.linear.gather [hbm4b:s5+s2], $0x80, $0x38;
	[tilespmem:$0x8100] =	vst v63  }
0x18: {  	_ =	swait.ge [sflag:s11], $0x80  }
0x19: {  	[sflag:s11] =	ssyncset.done $0x0  }
0x1a: {  	[sflag:s11] =	ssyncadd.s32 $0xFFFFFF80  }
0x1b: {  	[tilespmem:s14], [sflag:$0x2] =	stream.indirect.gather [hbm4b:s3+s12], $0x80, s12, s12, $0xb8;
	[tilespmem:$0x8100] =	vst v63  }
0x1c: {  	_ =	swait.ge [sflag:s15], $0x4000  }
0x1d: {  	[sflag:s15] =	ssyncset.done $0x0  }
0x1e: {  	s20 =	sadd.s32 $0x0, s9;
	[sflag:s15] =	ssyncadd.s32 $0xFFFFC000  }
0x1f: {  	[hbm4b:s20+s2] =	stream.linear.scatter [tilespmem:s13], [sflag:$0x3], $0x4000, $0x38;
	[tilespmem:$0x8100] =	vst v63  }
0x20: {  	_ =	swait.ge [sflag:s16], $0x4000  }
0x21: {  	[sflag:s16] =	ssyncset.done $0x0  }
0x22: {  	s21 =	sadd.s32 $0xFFFFFE00, s10;
	[sflag:s16] =	ssyncadd.s32 $0xFFFFC000  }
0x23: {  	[tilespmem:s2], [sflag:$0x5] =	stream.linear.gather [hbm4b:s21+s2], $0x80, $0x38;
	[tilespmem:$0x8100] =	vst v63  }
0x24: {  	_ =	swait.ge [sflag:s11], $0x80  }
0x25: {  	[sflag:s11] =	ssyncset.done $0x0  }
0x26: {  	[sflag:s11] =	ssyncadd.s32 $0xFFFFFF80  }
0x27: {  	[tilespmem:s13], [sflag:$0x1] =	stream.indirect.gather [hbm4b:s3+s12], $0x80, s2, s12, $0xb8;
	[tilespmem:$0x8100] =	vst v63  }
0x28: {  	_ =	swait.ge [sflag:s17], $0x4000  }
0x29: {  	[sflag:s17] =	ssyncset.done $0x0  }
0x2a: {  	s20 =	sadd.s32 $0x10000, s20;
	[sflag:s17] =	ssyncadd.s32 $0xFFFFC000  }
0x2b: {  	[hbm4b:s20+s2] =	stream.linear.scatter [tilespmem:s14], [sflag:$0x4], $0x4000, $0x38;
	[tilespmem:$0x8100] =	vst v63  }
0x2c: {  	_ =	swait.ge [sflag:s18], $0x4000  }
0x2d: {  	[sflag:s18] =	ssyncset.done $0x0  }
0x2e: {  	[sflag:s18] =	ssyncadd.s32 $0xFFFFC000  }
0x2f: {  	[tilespmem:s12], [sflag:$0x5] =	stream.linear.gather [hbm4b:s10+s2], $0x80, $0x38;
	[tilespmem:$0x8100] =	vst v63  }
0x30: {  	_ =	swait.ge [sflag:s11], $0x80  }
0x31: {  	[sflag:s11] =	ssyncset.done $0x0  }
0x32: {  	s21 =	sadd.s32 $0x400, s10;
	s20 =	simm.s32 $0x20000;
	[sflag:s11] =	ssyncadd.s32 $0xFFFFFF80  }
.LBB2_2:
0x33: {  	[tilespmem:s14], [sflag:$0x2] =	stream.indirect.gather [hbm4b:s3+s12], $0x80, s12, s12, $0xb8;
	[tilespmem:$0x8100] =	vst v63  }
0x34: {  	s22 =	smov.u32 s20  }
0x35: {  	p0 =	sne.s32 s20, $0x5E0000;
	s20 =	sadd.s32 $0x20000, s20;
	_ =	swait.ge [sflag:s15], $0x4000  }
0x36: {  	[sflag:s15] =	ssyncset.done $0x0  }
0x37: {  	s22 =	sadd.s32 s22, s9;
	[sflag:s15] =	ssyncadd.s32 $0xFFFFC000  }
0x38: {  	[hbm4b:s22+s2] =	stream.linear.scatter [tilespmem:s13], [sflag:$0x3], $0x4000, $0x38;
	[tilespmem:$0x8100] =	vst v63  }
0x39: {  	_ =	swait.ge [sflag:s16], $0x4000  }
0x3a: {  	[sflag:s16] =	ssyncset.done $0x0  }
0x3b: {  	s23 =	sadd.s32 $0xFFFFFE00, s21;
	[sflag:s16] =	ssyncadd.s32 $0xFFFFC000  }
0x3c: {  	[tilespmem:s2], [sflag:$0x5] =	stream.linear.gather [hbm4b:s23+s2], $0x80, $0x38;
	[tilespmem:$0x8100] =	vst v63  }
0x3d: {  	_ =	swait.ge [sflag:s11], $0x80  }
0x3e: {  	[sflag:s11] =	ssyncset.done $0x0  }
0x3f: {  	[sflag:s11] =	ssyncadd.s32 $0xFFFFFF80  }
0x40: {  	[tilespmem:s13], [sflag:$0x1] =	stream.indirect.gather [hbm4b:s3+s12], $0x80, s2, s12, $0xb8;
	[tilespmem:$0x8100] =	vst v63  }
0x41: {  	_ =	swait.ge [sflag:s17], $0x4000  }
0x42: {  	[sflag:s17] =	ssyncset.done $0x0  }
0x43: {  	s22 =	sadd.s32 $0x10000, s22;
	[sflag:s17] =	ssyncadd.s32 $0xFFFFC000  }
0x44: {  	[hbm4b:s22+s2] =	stream.linear.scatter [tilespmem:s14], [sflag:$0x4], $0x4000, $0x38;
	[tilespmem:$0x8100] =	vst v63  }
0x45: {  	_ =	swait.ge [sflag:s18], $0x4000  }
0x46: {  	[sflag:s18] =	ssyncset.done $0x0  }
.Ltmp0:
0x47: {  	[sflag:s18] =	ssyncadd.s32 $0xFFFFC000;
	(pc) =	sbr.rel @p0 .LBB2_2-.Ltmp0, $4  }
0x48: {  	[tilespmem:s12], [sflag:$0x5] =	stream.linear.gather [hbm4b:s21+s2], $0x80, $0x38;
	[tilespmem:$0x8100] =	vst v63  }
0x49: {  	_ =	swait.ge [sflag:s11], $0x80  }
0x4a: {  	[sflag:s11] =	ssyncset.done $0x0  }
0x4b: {  	s21 =	sadd.s32 $0x400, s21;
	[sflag:s11] =	ssyncadd.s32 $0xFFFFFF80  }
0x4c: {  	[tilespmem:s14], [sflag:$0x2] =	stream.indirect.gather [hbm4b:s3+s12], $0x80, s12, s12, $0xb8;
	[tilespmem:$0x8100] =	vst v63  }
0x4d: {  	_ =	swait.ge [sflag:s15], $0x4000  }
0x4e: {  	[sflag:s15] =	ssyncset.done $0x0  }
0x4f: {  	[sflag:s15] =	ssyncadd.s32 $0xFFFFC000  }
0x50: {  	[hbm4b:s7+s2] =	stream.linear.scatter [tilespmem:s13], [sflag:$0x3], $0x4000, $0x38;
	[tilespmem:$0x8100] =	vst v63  }
0x51: {  	_ =	swait.ge [sflag:s17], $0x4000  }
0x52: {  	[sflag:s17] =	ssyncset.done $0x0  }
0x53: {  	s19 =	sadd.s32 $0x1, s19;
	[sflag:s17] =	ssyncadd.s32 $0xFFFFC000  }
0x54: {  	[hbm4b:s8+s2] =	stream.linear.scatter [tilespmem:s14], [sflag:$0x4], $0x4000, $0x38;
	[tilespmem:$0x8100] =	vst v63  }
0x55: {  	p0 =	sne.s32 s19, s6;
	_ =	swait.ge [sflag:s16], $0x4000  }
.Ltmp1:
0x56: {  	[sflag:s16] =	ssyncset.done $0x0;
	(pc) =	sbr.rel @p0 .LBB2_1-.Ltmp1, $4  }
0x57: {  	[sflag:s16] =	ssyncadd.s32 $0xFFFFC000  }
0x58: {  	_ =	swait.ge [sflag:s18], $0x4000  }
0x59: {  	[sflag:s18] =	ssyncset.done $0x0  }
0x5a: {  	[sflag:s18] =	ssyncadd.s32 $0xFFFFC000  }
0x5b: {  	_ =	sfence.sel $0x180000  }
0x5c: {  	[bflag:$0x0] =	sbarrier.arrive $0xFFFF  }
0x5d: {  	p0 =	sne.s32 s1, $0x0;
	_ =	strace $0x90000047  }
0x5e: {  	s0 =	sadd.s32 @!p0 $0x100000, s0;
	[bflag:$0x2] =	sbarrier.arrive $0xFFFF  }
0x5f: {  	[sflag:s0] =	ssyncadd.tile.s32 @!p0 $0x1;
	_ =	shalt  }
.Lfunc_end2:
_tile_overlayer_lowered:
.L_overlay_start_2:
0x60: {  	(tag) =	ssettag $0x2  }
0x61: {  	s0 =	rddreg [dreg:$0x0];
	s2 =	stileid.u32  }
0x62: {  	s1 =	rddreg [dreg:$0x1];
	p0 =	sne.s32 s2, $0x0  }
0x63: {  	s3 =	rddreg [dreg:$0x2];
	[bflag:$0x3] =	sbarrier.arrive $0xFFFF;
	s2 =	simm.s32 @!p0 $0x1C05  }
0x64: {  	[timem:s3], [sflag:s2] =	dma.local @!p0 [hbm:s0], s1  }
0x65: {  	s0 =	simm.s32 @!p0 $0x5  }
0x66: {  	_ =	swait.ge @!p0 [sflag:s0], s1  }
0x67: {  	s1 =	ssub.s32 @!p0 $0x0, s1;
	[sflag:s0] =	ssyncset.done @!p0 $0x0  }
0x68: {  	[sflag:s0] =	ssyncadd.s32 @!p0 s1  }
0x69: {  	[bflag:$0x3] =	sbarrier.arrive $0xFFFF  }
0x6a: {  	_ =	shalt  }

// kernel: kernel.9.cloned.1.call-start
scs
__scs_entry_jumppad:
0x0: {  	(pc) =	sbr.rel $0x88, $3  }
0x1: {  	(tag) =	ssettag $0x0;
	lr =	simm.s32 $0x1  }
0x2: {  	[smem:$0x3F85] =	sst lr;
	_ =	strace $0xD0000000  }
0x3: {  	_ = 	snop  }
0x4: {  	_ = 	snop  }
0x5: {  	_ = 	snop  }
0x6: {  	_ = 	snop  }
0x7: {  	_ = 	snop  }
__scs_overlays_trampoline_lowered:
0x8: {  	[smem:$0x3F94] =	sst s0  }
0x9: {  	[smem:$0x3F95] =	sst s1  }
0xa: {  	[smem:$0x3F96] =	sst s2  }
0xb: {  	[smem:$0x3F97] =	sst s3  }
0xc: {  	[smem:$0x3F98] =	sst s4  }
0xd: {  	[smem:$0x3F99] =	sst s5  }
0xe: {  	[smem:$0x3F9A] =	sst s6  }
0xf: {  	[smem:$0x3F9B] =	sst s7  }
0x10: {  	[smem:$0x3F9C] =	sst s8  }
0x11: {  	[smem:$0x3F9D] =	sst s9;
	s0 =	simm.s32 @!p0 $0x0  }
0x12: {  	s1 =	sld [smem:$0x3F83];
	s0 =	simm.s32 @p0 $0x1  }
0x13: {  	[smem:$0x3F9E] =	sst s0;
	s0 =	simm.s32 @!p1 $0x0  }
0x14: {  	s2 =	sld [smem:$0x3F82];
	s0 =	simm.s32 @p1 $0x1  }
0x15: {  	[smem:$0x3F9F] =	sst s0;
	s0 =	simm.s32 @!p2 $0x0  }
0x16: {  	s3 =	sld [smem:$0x3FDB];
	s0 =	simm.s32 @p2 $0x1  }
0x17: {  	s4 =	simm.s32 $0x1BF5;
	[smem:$0x3FA1] =	sst s0  }
0x18: {  	s0 =	sld [smem:$0x3F84];
	_ =	swait.ge [sflag:s4], $0x0  }
0x19: {  	s7 =	sld [smem:$0x3F85]  }
0x1a: {  	s8 =	sadd.s32 $0xFFFFE003, lr  }
0x1b: {  	s9 =	sadd.s32 $0xFFFFFEF7, lr;
	s5 =	simm.s32 $0xFFFFFFFF;
	p2 =	slt.u32 s8, $0xFFFFF086  }
0x1c: {  	p1 =	slt.u32 s9, $0xF7A;
	s5 =	simm.s32 @!p2 $0x0  }
0x1d: {  	s5 =	simm.s32 @p1 $0x1;
	p0 =	seq.s32 s7, s2  }
0x1e: {  	s7 =	smul.u32 @!p0 $0xF7A, s2;
	p2 =	seq.s32 @!p0 s5, $0x0  }
0x1f: {  	s9 =	smul.u32 $0xF7A, s1;
	s8 =	simm.s32 @!p0 $0x1BF5;
	p2 =	por !p2, p0  }
0x20: {  	[sflag:s8] =	ssyncset.s32 @!p0 $0xFFFFF086;
	s6 =	sadd.s32 @!p0 s3, s7;
	s7 =	simm.s32 @!p0 $0x108  }
0x21: {  	s3 =	sadd.s32 s3, s9;
	s6 =	sadd.s32 @!p0 $0x88, s6;
	s7 =	simm.s32 @p2 $0x1082  }
0x22: {  	[simem:s7], [sflag:s8] =	dma.local @!p0 [hbm:s6], $0xF7A  }
0x23: {  	s9 =	sor.u32 $0xD0000000, s2;
	s6 =	simm.s32 $0x108;
	_ =	swait.ge @!p0 [sflag:s8], $0x0  }
0x24: {  	s3 =	sadd.s32 $0x88, s3;
	s6 =	simm.s32 @!p1 $0x1082;
	[sflag:s4] =	ssyncset.s32 $0xFFFFF086  }
0x25: {  	[simem:s6], [sflag:s4] =	dma.local [hbm:s3], $0xF7A  }
0x26: {  	[smem:$0x3F85] =	sst s1;
	(tag) =	ssettag s2;
	_ =	strace s9  }
0x27: {  	s1 =	sld [smem:$0x3F95]  }
0x28: {  	s2 =	sld [smem:$0x3F96]  }
0x29: {  	s4 =	sld [smem:$0x3F98]  }
0x2a: {  	p0 =	seq.s32 s5, $0x0;
	s5 =	sld [smem:$0x3F99]  }
0x2b: {  	s6 =	sld [smem:$0x3F9A]  }
0x2c: {  	s7 =	sld [smem:$0x3F9B]  }
0x2d: {  	s3 =	simm.s32 $0x108;
	s8 =	sld [smem:$0x3F9C]  }
0x2e: {  	s3 =	simm.s32 @!p0 $0x1082;
	s9 =	sld [smem:$0x3F9D]  }
0x2f: {  	lr =	sadd.s32 s0, s3;
	s0 =	sld [smem:$0x3F94]  }
0x30: {  	s3 =	sld [smem:$0x3F97]  }
0x31: {  	[smem:$0x3FA0] =	sst s10  }
0x32: {  	s10 =	sld [smem:$0x3F9E];
	_ =	sdelay $0x3  }
0x33: {  	p0 =	seq.s32 s10, $0x1;
	s10 =	sld [smem:$0x3FA0];
	_ =	sdelay $0x3  }
0x34: {  	[smem:$0x3FA0] =	sst s10  }
0x35: {  	s10 =	sld [smem:$0x3F9F];
	_ =	sdelay $0x3  }
0x36: {  	p1 =	seq.s32 s10, $0x1;
	s10 =	sld [smem:$0x3FA0];
	_ =	sdelay $0x3  }
0x37: {  	[smem:$0x3FA0] =	sst s10  }
0x38: {  	s10 =	sld [smem:$0x3FA1]  }
0x39: {  	_ = 	snop;
	(pc) =	sbr.ind lr, $3  }
0x3a: {  	_ = 	snop  }
0x3b: {  	_ = 	snop  }
0x3c: {  	p2 =	seq.s32 s10, $0x1;
	s10 =	sld [smem:$0x3FA0]  }
0x3d: {  	_ =	shalt  }
0x3e: {  	_ =	shalt  }
0x3f: {  	_ =	shalt  }
0x40: {  	_ =	shalt  }
0x41: {  	_ =	shalt  }
0x42: {  	_ =	shalt  }
0x43: {  	_ =	shalt  }
0x44: {  	_ =	shalt  }
0x45: {  	_ =	shalt  }
0x46: {  	_ =	shalt  }
0x47: {  	_ =	shalt  }
0x48: {  	_ =	shalt  }
0x49: {  	_ =	shalt  }
0x4a: {  	_ =	shalt  }
0x4b: {  	_ =	shalt  }
0x4c: {  	_ =	shalt  }
0x4d: {  	_ =	shalt  }
0x4e: {  	_ =	shalt  }
0x4f: {  	_ =	shalt  }
0x50: {  	_ =	shalt  }
0x51: {  	_ =	shalt  }
0x52: {  	_ =	shalt  }
0x53: {  	_ =	shalt  }
0x54: {  	_ =	shalt  }
0x55: {  	_ =	shalt  }
0x56: {  	_ =	shalt  }
0x57: {  	_ =	shalt  }
0x58: {  	_ =	shalt  }
0x59: {  	_ =	shalt  }
0x5a: {  	_ =	shalt  }
0x5b: {  	_ =	shalt  }
0x5c: {  	_ =	shalt  }
0x5d: {  	_ =	shalt  }
0x5e: {  	_ =	shalt  }
0x5f: {  	_ =	shalt  }
0x60: {  	_ =	shalt  }
0x61: {  	_ =	shalt  }
0x62: {  	_ =	shalt  }
0x63: {  	_ =	shalt  }
0x64: {  	_ =	shalt  }
0x65: {  	_ =	shalt  }
0x66: {  	_ =	shalt  }
0x67: {  	_ =	shalt  }
0x68: {  	_ =	shalt  }
0x69: {  	_ =	shalt  }
0x6a: {  	_ =	shalt  }
0x6b: {  	_ =	shalt  }
0x6c: {  	_ =	shalt  }
0x6d: {  	_ =	shalt  }
0x6e: {  	_ =	shalt  }
0x6f: {  	_ =	shalt  }
0x70: {  	_ =	shalt  }
0x71: {  	_ =	shalt  }
0x72: {  	_ =	shalt  }
0x73: {  	_ =	shalt  }
0x74: {  	_ =	shalt  }
0x75: {  	_ =	shalt  }
0x76: {  	_ =	shalt  }
0x77: {  	_ =	shalt  }
0x78: {  	_ =	shalt  }
0x79: {  	_ =	shalt  }
0x7a: {  	_ =	shalt  }
0x7b: {  	_ =	shalt  }
0x7c: {  	_ =	shalt  }
0x7d: {  	_ =	shalt  }
0x7e: {  	_ =	shalt  }
0x7f: {  	_ =	shalt  }
0x80: {  	_ =	shalt  }
0x81: {  	_ =	shalt  }
0x82: {  	_ =	shalt  }
0x83: {  	_ =	shalt  }
0x84: {  	_ =	shalt  }
0x85: {  	_ =	shalt  }
0x86: {  	_ =	shalt  }
0x87: {  	_ =	shalt  }
.Lfunc_end0:
.L_simem_size_0:
called_computation.1_lowered:
.L_overlay_start_0:
0x88: {  	s2 =	sld [smem:$0x3FD9]  }
0x89: {  	s3 =	sld [smem:$0x3FFE];
	_ =	sdelay $0x1  }
0x8a: {  	s1 =	srdreg.scid  }
0x8b: {  	s0 =	sand.u32 $0x1, s1  }
0x8c: {  	s17 =	sshll.u32 s0, $0xA;
	s2 =	sadd.s32 s3, s2  }
0x8d: {  	s2 =	sadd.s32 s2, s17  }
0x8e: {  	[smem:$0x3FAC] =	sst s2  }
0x8f: {  	_ = 	snop  }
0x90: {  	s18 =	sld [smem:$0x3FD0];
	(tm) =	ssettm $0x1  }
0x91: {  	s19 =	sld [smem:$0x3FFB];
	_ =	sdelay $0x3  }
0x92: {  	_ =	strace s19  }
0x93: {  	s2 =	sld [smem:$0x3FFC];
	_ =	sdelay $0x3  }
0x94: {  	_ =	strace s2  }
0x95: {  	s2 =	sld [smem:$0x3FFD];
	_ =	sdelay $0x3  }
0x96: {  	_ =	strace s2  }
0x97: {  	_ =	strace $0x8FFFFFFF  }
0x98: {  	s20 =	sld [smem:$0x3FDB];
	_ =	sdelay $0x1  }
0x99: {  	s4 =	simm.s32 $_scs_section_size  }
0x9a: {  	s5 =	simm.s32 $_size__tile_overlayer_lowered;
	s6 =	simm.s32 $_tile_overlayer_lowered  }
0x9b: {  	s7 =	simm.s32 $0x1BFF;
	s21 =	sshll.u32 s6, $0x1;
	s4 =	sadd.s32 s4, s20  }
0x9c: {  	s22 =	simm.s32 $0x0;
	s5 =	sshll.u32 s5, $0x1;
	s6 =	sadd.s32 s21, s4  }
0x9d: {  	[timem:s22], [sflag:s7] =	dma.local [hbm:s6], s5  }
0x9e: {  	_ =	swait.ge [sflag:s7], s5  }
0x9f: {  	s5 =	ssub.s32 $0x0, s5;
	[sflag:s7] =	ssyncset.done $0x0  }
0xa0: {  	[sflag:s7] =	ssyncadd.s32 s5;
	_ =	sdelay $0x1  }
0xa1: {  	s23 =	simm.s32 $0x1B8B  }
0xa2: {  	_ =	swait.ge [sflag:s23], $0x1  }
0xa3: {  	[sflag:s23] =	ssyncset.done $0x0  }
0xa4: {  	[sflag:s23] =	ssyncadd.s32 $0xFFFFFFFF  }
0xa5: {  	s5 =	sld [smem:$0x0]  }
0xa6: {  	s6 =	sand.u32 $0xFFFFFFFE, s1  }
0xa7: {  	p0 =	sne.s32 s1, s6  }
0xa8: {  	s6 =	sshll.u32 @p0 s6, $0xE  }
0xa9: {  	s6 =	sadd.s32 @p0 $0x11B8D, s6;
	s7 =	sshll.u32 @p0 s5, $0x11  }
0xaa: {  	s6 =	sor.u32 @p0 s7, s6  }
0xab: {  	[sflag:s6] =	ssyncadd.remote.s32 @p0 $0x1;
	_ =	sdelay $0x1  }
0xac: {  	s6 =	simm.s32 @p0 $0x1B8D  }
0xad: {  	_ =	swait.eq @p0 [sflag:s6], $0x1  }
0xae: {  	[sflag:s6] =	ssyncadd.s32 @p0 $0xFFFFFFFF  }
0xaf: {  	s7 =	sshll.u32 @!p0 s1, $0xE  }
0xb0: {  	s7 =	sor.u32 @!p0 $0x4000, s7;
	s6 =	simm.s32 @!p0 $0x1B8D  }
0xb1: {  	s5 =	sshll.u32 @!p0 s5, $0x11;
	s7 =	sadd.s32 @!p0 $0x11B8D, s7;
	_ =	swait.eq @!p0 [sflag:s6], $0x1  }
0xb2: {  	s5 =	sor.u32 @!p0 s5, s7;
	[sflag:s6] =	ssyncadd.s32 @!p0 $0xFFFFFFFF  }
0xb3: {  	s25 =	simm.s32 $0x1B8E;
	s24 =	sld [smem:$0x3FFE];
	[sflag:s5] =	ssyncadd.remote.s32 @!p0 $0x1  }
0xb4: {  	s26 =	simm.s32 $execute0_lowered;
	[smem:$0x3FD2] =	sst s25  }
0xb5: {  	s6 =	sshll.u32 s26, $0x1;
	_ =	strace $0x80000049;
	[dreg:$0x1] =	wrdreg $0xFFFFFFFF  }
0xb6: {  	s28 =	simm.s32 $_size_execute0_lowered;
	s4 =	sadd.s32 s4, s6;
	[dreg:$0x0] =	wrdreg $0x0  }
0xb7: {  	s6 =	sshll.u32 s28, $0x1;
	[dreg:$0x2] =	wrdreg s4  }
0xb8: {  	[dreg:$0x3] =	wrdreg s6  }
0xb9: {  	[dreg:$0x4] =	wrdreg $0xC0  }
0xba: {  	_ =	task [dreg:s22], $0x5FFFF  }
0xbb: {  	[dreg:$0x1] =	wrdreg $0xFFFFFFFF  }
0xbc: {  	[dreg:$0x0] =	wrdreg $0x60  }
0xbd: {  	[dreg:$0x2] =	wrdreg s24  }
0xbe: {  	[dreg:$0x3] =	wrdreg s18  }
0xbf: {  	[dreg:$0x4] =	wrdreg $0xA  }
0xc0: {  	_ =	task.clear_ibuf [dreg:s22], $0x5FFFF;
	_ =	strace $0x90000049  }
0xc1: {  	s29 =	simm.s32 $0xA;
	_ =	strace $0x8000004B  }
0xc2: {  	_ =	swait.ge [sflag:s29], $0x1  }
0xc3: {  	[sflag:s29] =	ssyncadd.s32 $0xFFFFFFFF  }
0xc4: {  	_ =	strace $0x9000004B  }
0xc5: {  	_ =	sfence  }
0xc6: {  	s30 =	sld [smem:$0x0];
	_ =	sdelay $0x2  }
0xc7: {  	s31 =	sshll.u32 s1, $0xD;
	s1 =	sshrl.u32 s1, $0x2  }
0xc8: {  	s4 =	sand.u32 $0x4000, s31;
	s1 =	sadd.s32 s1, s30  }
0xc9: {  	s0 =	sor.u32 s4, s0;
	s1 =	sshll.u32 s1, $0x11  }
0xca: {  	s0 =	sor.u32 s1, s0  }
0xcb: {  	s0 =	sadd.s32 $0x8F2B, s0  }
0xcc: {  	[sflag:s0] =	ssyncadd.remote.s32 $0x1  }
0xcd: {  	_ =	sfence.sel $0xFFFF  }
0xce: {  	[dreg:$0x0] =	wrdreg $0xFFFFFFFF;
	(pc) =	sbr.abs _section_cstart, $3  }
0xcf: {  	[dreg:$0x1] =	wrdreg $0xFFFFFFFF  }
0xd0: {  	_ =	task.clear_ibuf [dreg:s22], $0x2FFFF;
	_ =	strace $0x9FFFFFFF  }
0xd1: {  	(tm) =	ssettm $0x7FFFFFFF  }
tec
execute0_lowered:
.L_overlay_start_1:
0x0: {  	(tag) =	ssettag $0x1  }
0x1: {  	s4 =	rddreg [dreg:$0x0]  }
0x2: {  	s8 =	rddreg [dreg:$0x1]  }
0x3: {  	s0 =	rddreg [dreg:$0x2];
	s2 =	simm.s32 $0x0  }
0x4: {  	s3 =	srdreg.scid;
	s1 =	stileid.u32;
	s14 =	simm.s32 $0x4100  }
0x5: {  	s15 =	simm.s32 $0x1;
	s16 =	simm.s32 $0x3;
	s17 =	simm.s32 $0x2  }
0x6: {  	s18 =	simm.s32 $0x4;
	s19 =	simm.s32 $0x0;
	[smem:$0x7FF] =	sst s2  }
0x7: {  	s9 =	sand.u32 $0x1, s3;
	s5 =	sshll.u32 s1, $0x1;
	s3 =	sadd.s32 $0x4400, s4  }
0x8: {  	s10 =	sadd.s32 $0x6E7A00, s4;
	s12 =	sshll.u32 s1, $0x5;
	s13 =	sshll.u32 s1, $0xC  }
0x9: {  	_ =	strace $0x8000004A;
	s6 =	ssub.s32 $0x2, s9;
	s5 =	sor.u32 s9, s5  }
0xa: {  	s31 =	sshll.u32 s9, $0x4;
	s9 =	sshll.u32 s9, $0xB;
	s30 =	sshrl.u32 s6, $0x1  }
0xb: {  	s7 =	sshll.u32 s5, $0x4;
	s11 =	sshll.u32 s5, $0xB;
	s6 =	ssub.s32 s6, s30  }
0xc: {  	s7 =	sadd.s32 s7, s8;
	s11 =	sadd.s32 s11, s10;
	s8 =	sadd.s32 s12, s8  }
0xd: {  	s10 =	sadd.s32 s13, s10;
	s13 =	simm.s32 $0x100;
	s4 =	sadd.s32 $0xC400, s7  }
0xe: {  	s5 =	sadd.s32 $0xC600, s7;
	s6 =	smax.u32 s6, $0x1;
	s7 =	sadd.s32 $0x600000, s11  }
0xf: {  	s12 =	sadd.s32 s31, s8;
	s8 =	sadd.s32 $0x610000, s11;
	s9 =	sadd.s32 s9, s10  }
0x10: {  	s11 =	simm.s32 $0x5;
	s10 =	sadd.s32 $0xCA00, s12;
	s12 =	simm.s32 $0x80  }
.LBB2_1:
0x11: {  	[tilespmem:s2], [sflag:$0x5] =	stream.linear.gather [hbm4b:s4+s2], $0x80, $0x38;
	[tilespmem:$0x8100] =	vst v63  }
0x12: {  	_ =	swait.ge [sflag:s11], $0x80  }
0x13: {  	[sflag:s11] =	ssyncset.done $0x0  }
0x14: {  	[sflag:s11] =	ssyncadd.s32 $0xFFFFFF80  }
0x15: {  	[tilespmem:s13], [sflag:$0x1] =	stream.indirect.gather [hbm4b:s3+s12], $0x80, s2, s12, $0xb8;
	[tilespmem:$0x8100] =	vst v63  }
0x16: {  	_ = 	snop  }
0x17: {  	[tilespmem:s12], [sflag:$0x5] =	stream.linear.gather [hbm4b:s5+s2], $0x80, $0x38;
	[tilespmem:$0x8100] =	vst v63  }
0x18: {  	_ =	swait.ge [sflag:s11], $0x80  }
0x19: {  	[sflag:s11] =	ssyncset.done $0x0  }
0x1a: {  	[sflag:s11] =	ssyncadd.s32 $0xFFFFFF80  }
0x1b: {  	[tilespmem:s14], [sflag:$0x2] =	stream.indirect.gather [hbm4b:s3+s12], $0x80, s12, s12, $0xb8;
	[tilespmem:$0x8100] =	vst v63  }
0x1c: {  	_ =	swait.ge [sflag:s15], $0x4000  }
0x1d: {  	[sflag:s15] =	ssyncset.done $0x0  }
0x1e: {  	s20 =	sadd.s32 $0x0, s9;
	[sflag:s15] =	ssyncadd.s32 $0xFFFFC000  }
0x1f: {  	[hbm4b:s20+s2] =	stream.linear.scatter [tilespmem:s13], [sflag:$0x3], $0x4000, $0x38;
	[tilespmem:$0x8100] =	vst v63  }
0x20: {  	_ =	swait.ge [sflag:s16], $0x4000  }
0x21: {  	[sflag:s16] =	ssyncset.done $0x0  }
0x22: {  	s21 =	sadd.s32 $0xFFFFFE00, s10;
	[sflag:s16] =	ssyncadd.s32 $0xFFFFC000  }
0x23: {  	[tilespmem:s2], [sflag:$0x5] =	stream.linear.gather [hbm4b:s21+s2], $0x80, $0x38;
	[tilespmem:$0x8100] =	vst v63  }
0x24: {  	_ =	swait.ge [sflag:s11], $0x80  }
0x25: {  	[sflag:s11] =	ssyncset.done $0x0  }
0x26: {  	[sflag:s11] =	ssyncadd.s32 $0xFFFFFF80  }
0x27: {  	[tilespmem:s13], [sflag:$0x1] =	stream.indirect.gather [hbm4b:s3+s12], $0x80, s2, s12, $0xb8;
	[tilespmem:$0x8100] =	vst v63  }
0x28: {  	_ =	swait.ge [sflag:s17], $0x4000  }
0x29: {  	[sflag:s17] =	ssyncset.done $0x0  }
0x2a: {  	s20 =	sadd.s32 $0x10000, s20;
	[sflag:s17] =	ssyncadd.s32 $0xFFFFC000  }
0x2b: {  	[hbm4b:s20+s2] =	stream.linear.scatter [tilespmem:s14], [sflag:$0x4], $0x4000, $0x38;
	[tilespmem:$0x8100] =	vst v63  }
0x2c: {  	_ =	swait.ge [sflag:s18], $0x4000  }
0x2d: {  	[sflag:s18] =	ssyncset.done $0x0  }
0x2e: {  	[sflag:s18] =	ssyncadd.s32 $0xFFFFC000  }
0x2f: {  	[tilespmem:s12], [sflag:$0x5] =	stream.linear.gather [hbm4b:s10+s2], $0x80, $0x38;
	[tilespmem:$0x8100] =	vst v63  }
0x30: {  	_ =	swait.ge [sflag:s11], $0x80  }
0x31: {  	[sflag:s11] =	ssyncset.done $0x0  }
0x32: {  	s21 =	sadd.s32 $0x400, s10;
	s20 =	simm.s32 $0x20000;
	[sflag:s11] =	ssyncadd.s32 $0xFFFFFF80  }
.LBB2_2:
0x33: {  	[tilespmem:s14], [sflag:$0x2] =	stream.indirect.gather [hbm4b:s3+s12], $0x80, s12, s12, $0xb8;
	[tilespmem:$0x8100] =	vst v63  }
0x34: {  	s22 =	smov.u32 s20  }
0x35: {  	p0 =	sne.s32 s20, $0x5E0000;
	s20 =	sadd.s32 $0x20000, s20;
	_ =	swait.ge [sflag:s15], $0x4000  }
0x36: {  	[sflag:s15] =	ssyncset.done $0x0  }
0x37: {  	s22 =	sadd.s32 s22, s9;
	[sflag:s15] =	ssyncadd.s32 $0xFFFFC000  }
0x38: {  	[hbm4b:s22+s2] =	stream.linear.scatter [tilespmem:s13], [sflag:$0x3], $0x4000, $0x38;
	[tilespmem:$0x8100] =	vst v63  }
0x39: {  	_ =	swait.ge [sflag:s16], $0x4000  }
0x3a: {  	[sflag:s16] =	ssyncset.done $0x0  }
0x3b: {  	s23 =	sadd.s32 $0xFFFFFE00, s21;
	[sflag:s16] =	ssyncadd.s32 $0xFFFFC000  }
0x3c: {  	[tilespmem:s2], [sflag:$0x5] =	stream.linear.gather [hbm4b:s23+s2], $0x80, $0x38;
	[tilespmem:$0x8100] =	vst v63  }
0x3d: {  	_ =	swait.ge [sflag:s11], $0x80  }
0x3e: {  	[sflag:s11] =	ssyncset.done $0x0  }
0x3f: {  	[sflag:s11] =	ssyncadd.s32 $0xFFFFFF80  }
0x40: {  	[tilespmem:s13], [sflag:$0x1] =	stream.indirect.gather [hbm4b:s3+s12], $0x80, s2, s12, $0xb8;
	[tilespmem:$0x8100] =	vst v63  }
0x41: {  	_ =	swait.ge [sflag:s17], $0x4000  }
0x42: {  	[sflag:s17] =	ssyncset.done $0x0  }
0x43: {  	s22 =	sadd.s32 $0x10000, s22;
	[sflag:s17] =	ssyncadd.s32 $0xFFFFC000  }
0x44: {  	[hbm4b:s22+s2] =	stream.linear.scatter [tilespmem:s14], [sflag:$0x4], $0x4000, $0x38;
	[tilespmem:$0x8100] =	vst v63  }
0x45: {  	_ =	swait.ge [sflag:s18], $0x4000  }
0x46: {  	[sflag:s18] =	ssyncset.done $0x0  }
.Ltmp0:
0x47: {  	[sflag:s18] =	ssyncadd.s32 $0xFFFFC000;
	(pc) =	sbr.rel @p0 .LBB2_2-.Ltmp0, $4  }
0x48: {  	[tilespmem:s12], [sflag:$0x5] =	stream.linear.gather [hbm4b:s21+s2], $0x80, $0x38;
	[tilespmem:$0x8100] =	vst v63  }
0x49: {  	_ =	swait.ge [sflag:s11], $0x80  }
0x4a: {  	[sflag:s11] =	ssyncset.done $0x0  }
0x4b: {  	s21 =	sadd.s32 $0x400, s21;
	[sflag:s11] =	ssyncadd.s32 $0xFFFFFF80  }
0x4c: {  	[tilespmem:s14], [sflag:$0x2] =	stream.indirect.gather [hbm4b:s3+s12], $0x80, s12, s12, $0xb8;
	[tilespmem:$0x8100] =	vst v63  }
0x4d: {  	_ =	swait.ge [sflag:s15], $0x4000  }
0x4e: {  	[sflag:s15] =	ssyncset.done $0x0  }
0x4f: {  	[sflag:s15] =	ssyncadd.s32 $0xFFFFC000  }
0x50: {  	[hbm4b:s7+s2] =	stream.linear.scatter [tilespmem:s13], [sflag:$0x3], $0x4000, $0x38;
	[tilespmem:$0x8100] =	vst v63  }
0x51: {  	_ =	swait.ge [sflag:s17], $0x4000  }
0x52: {  	[sflag:s17] =	ssyncset.done $0x0  }
0x53: {  	s19 =	sadd.s32 $0x1, s19;
	[sflag:s17] =	ssyncadd.s32 $0xFFFFC000  }
0x54: {  	[hbm4b:s8+s2] =	stream.linear.scatter [tilespmem:s14], [sflag:$0x4], $0x4000, $0x38;
	[tilespmem:$0x8100] =	vst v63  }
0x55: {  	p0 =	sne.s32 s19, s6;
	_ =	swait.ge [sflag:s16], $0x4000  }
.Ltmp1:
0x56: {  	[sflag:s16] =	ssyncset.done $0x0;
	(pc) =	sbr.rel @p0 .LBB2_1-.Ltmp1, $4  }
0x57: {  	[sflag:s16] =	ssyncadd.s32 $0xFFFFC000  }
0x58: {  	_ =	swait.ge [sflag:s18], $0x4000  }
0x59: {  	[sflag:s18] =	ssyncset.done $0x0  }
0x5a: {  	[sflag:s18] =	ssyncadd.s32 $0xFFFFC000  }
0x5b: {  	_ =	sfence.sel $0x180000  }
0x5c: {  	[bflag:$0x0] =	sbarrier.arrive $0xFFFF  }
0x5d: {  	p0 =	sne.s32 s1, $0x0;
	_ =	strace $0x9000004A  }
0x5e: {  	s0 =	sadd.s32 @!p0 $0x100000, s0;
	[bflag:$0x2] =	sbarrier.arrive $0xFFFF  }
0x5f: {  	[sflag:s0] =	ssyncadd.tile.s32 @!p0 $0x1;
	_ =	shalt  }
.Lfunc_end2:
_tile_overlayer_lowered:
.L_overlay_start_2:
0x60: {  	(tag) =	ssettag $0x2  }
0x61: {  	s0 =	rddreg [dreg:$0x0];
	s2 =	stileid.u32  }
0x62: {  	s1 =	rddreg [dreg:$0x1];
	p0 =	sne.s32 s2, $0x0  }
0x63: {  	s3 =	rddreg [dreg:$0x2];
	[bflag:$0x3] =	sbarrier.arrive $0xFFFF;
	s2 =	simm.s32 @!p0 $0x1C05  }
0x64: {  	[timem:s3], [sflag:s2] =	dma.local @!p0 [hbm:s0], s1  }
0x65: {  	s0 =	simm.s32 @!p0 $0x5  }
0x66: {  	_ =	swait.ge @!p0 [sflag:s0], s1  }
0x67: {  	s1 =	ssub.s32 @!p0 $0x0, s1;
	[sflag:s0] =	ssyncset.done @!p0 $0x0  }
0x68: {  	[sflag:s0] =	ssyncadd.s32 @!p0 s1  }
0x69: {  	[bflag:$0x3] =	sbarrier.arrive $0xFFFF  }
0x6a: {  	_ =	shalt  }

</sc_bundles>
